<compile_context>
chip_gen: v7x
topology: tpu7x:2x2x1
jax: 0.10.2.dev20260603
libtpu: 0.0.44.dev20260713+nightly
codegen_flags: <defaults>
</compile_context>

<pallas_src>
import functools

import jax
import jax.numpy as jnp
from jax import lax
from jax.experimental import pallas as pl
from jax.experimental.pallas import tpu as pltpu
from jax.experimental.pallas import tpu_sc as plsc

N_ROWS = 320000
D_IN = 128
D_H = 256
N_SEG = 10000

BLK = 16000


def _mlp_body(x_ref, s_ref, w0_ref, w1_ref, w2_ref, w3_ref, o_ref):
    bf = jnp.bfloat16
    h = jnp.dot(x_ref[...].astype(bf), w0_ref[...].astype(bf),
                preferred_element_type=jnp.float32)
    h = jnp.dot(jnp.maximum(h, 0.0).astype(bf), w1_ref[...].astype(bf),
                preferred_element_type=jnp.float32)
    h = jnp.dot(jnp.maximum(h, 0.0).astype(bf), w2_ref[...].astype(bf),
                preferred_element_type=jnp.float32)
    logits = jnp.dot(jnp.maximum(h, 0.0).astype(bf), w3_ref[...].astype(bf),
                     preferred_element_type=jnp.float32)
    o_ref[...] = (logits.reshape(BLK // 128, 128) * s_ref[0])[None]


def _mlp(X, scores, W0, W1, W2, W3, i0, nblk):
    return pl.pallas_call(
        _mlp_body,
        grid=(nblk,),
        in_specs=[
            pl.BlockSpec((BLK, D_IN), lambda i: (i + i0, 0)),
            pl.BlockSpec((1, BLK // 128, 128), lambda i: (i + i0, 0, 0)),
            pl.BlockSpec((D_IN, D_H), lambda i: (0, 0)),
            pl.BlockSpec((D_H, D_H), lambda i: (0, 0)),
            pl.BlockSpec((D_H, D_H), lambda i: (0, 0)),
            pl.BlockSpec((D_H, 1), lambda i: (0, 0)),
        ],
        out_specs=pl.BlockSpec((1, BLK // 128, 128), lambda i: (i, 0, 0)),
        out_shape=jax.ShapeDtypeStruct((nblk, BLK // 128, 128),
                                       jnp.float32),
        compiler_params=pltpu.CompilerParams(
            dimension_semantics=("parallel",)),
    )(X, scores, W0, W1, W2, W3)


NW = 32
NS = 16
ACC = 10240

@functools.cache
def _build_segsum(rpw):
    mesh = plsc.VectorSubcoreMesh(core_axis_name="c", subcore_axis_name="s")
    body = functools.partial(_segsum_body, rpw)
    return functools.partial(
        pl.kernel,
        mesh=mesh,
        out_type=jax.ShapeDtypeStruct((2 * ACC,), jnp.float32),
        scratch_types=[
            pltpu.VMEM((rpw, 128), jnp.float32),
            pltpu.VMEM((rpw, 128), jnp.int32),
            pltpu.VMEM((ACC // NS, ), jnp.float32),
            pltpu.VMEM_SHARED((ACC,), jnp.float32),
            pltpu.SemaphoreType.DMA,
            pltpu.SemaphoreType.DMA,
        ],
    )(body)


def _segsum_body(rpw, w_hbm, idx_hbm, out_hbm, w_v, idx_v, zrow_v, acc_sh,
                 sem, lsem):
    c = lax.axis_index("c")
    s = lax.axis_index("s")
    gid = s * 2 + c

    row0 = pl.multiple_of(gid * rpw, rpw)
    w_load = pltpu.async_copy(w_hbm.at[pl.ds(row0, rpw)], w_v, lsem)
    i_load = pltpu.async_copy(idx_hbm.at[pl.ds(row0, rpw)], idx_v, lsem)

    stripe = ACC // NS

    def zfill(j, carry):
        zrow_v[pl.ds(pl.multiple_of(j * 16, 16), 16)] = jnp.zeros(
            (16,), jnp.float32)
        return carry

    lax.fori_loop(0, stripe // 16, zfill, 0)
    pltpu.sync_copy(zrow_v, acc_sh.at[pl.ds(pl.multiple_of(s * stripe, 8),
                                            stripe)])

    w_load.wait()
    i_load.wait()
    plsc.subcore_barrier()

    KB = 8

    def body(g, carry):
        copies = [
            pltpu.async_copy(w_v.at[g * KB + b],
                             acc_sh.at[idx_v.at[g * KB + b]], sem, add=True)
            for b in range(KB)
        ]
        for cp in copies:
            cp.wait()
        return carry

    lax.fori_loop(0, rpw // KB, body, 0)

    plsc.subcore_barrier()

    @pl.when(s == 0)
    def _writeback():
        off = pl.multiple_of(c * ACC, ACC)
        pltpu.sync_copy(acc_sh, out_hbm.at[pl.ds(off, ACC)])


def kernel(X, ppr_scores, ppr_idx, W0, W1, W2, W3):
    nblk = N_ROWS // BLK
    hblk = nblk // 2
    hrows = N_ROWS // 2 // 128
    rpw = 40
    hpad = NW * rpw
    scores3 = ppr_scores.reshape(nblk, BLK // 128, 128)
    idx32 = ppr_idx.astype(jnp.int32)

    def half(i0):
        w = _mlp(X, scores3, W0, W1, W2, W3, i0 * hblk, hblk)
        w_pad = jnp.pad(w.reshape(hrows, 128), ((0, hpad - hrows), (0, 0)))
        idx = lax.dynamic_slice_in_dim(idx32, i0 * (N_ROWS // 2), N_ROWS // 2)
        idx_pad = jnp.pad(idx, (0, (hpad - hrows) * 128),
                          constant_values=N_SEG).reshape(hpad, 128)
        return _build_segsum(rpw)(w_pad, idx_pad)

    pa = half(0)
    pb = half(1)
    return (pa[:ACC] + pa[ACC:] + pb[:ACC] + pb[ACC:])[:N_SEG, None]

# --- scband reference (transcript-rebuilt; emitter-appended) ---
"""Pipeline reference for scband-pprgo-84421877170342 (READ-ONLY COPY).

The authoritative reference and input builder live on the scoring server;
editing this copy changes nothing except your own understanding.
"""

import jax, jax.numpy as jnp
import numpy as np

N_PPR = 320000
N_NODES = 10000
D_FEAT = 128
HIDDEN = 256


def setup_inputs(seed: int = 0) -> dict:
    key = jax.random.key(seed)
    k1, k2, k3, k4, k5, k6, k7 = jax.random.split(key, 7)
    X = jax.random.normal(k1, (N_PPR, D_FEAT), dtype=jnp.float32)
    ppr_scores = jax.random.uniform(k2, (N_PPR,), dtype=jnp.float32)
    ppr_idx = jnp.sort(jax.random.randint(k3, (N_PPR,), 0, N_NODES).astype(jnp.int64))
    # MLP weights (nn.Linear, bias=False). Stored as [in, out] so forward is x @ W.
    W0 = jax.random.normal(k4, (D_FEAT, HIDDEN), dtype=jnp.float32) * 0.05
    W1 = jax.random.normal(k5, (HIDDEN, HIDDEN), dtype=jnp.float32) * 0.05
    W2 = jax.random.normal(k6, (HIDDEN, HIDDEN), dtype=jnp.float32) * 0.05
    W3 = jax.random.normal(k7, (HIDDEN, 1), dtype=jnp.float32) * 0.05
    return {"X": X, "ppr_scores": ppr_scores, "ppr_idx": ppr_idx,
            "W0": W0, "W1": W1, "W2": W2, "W3": W3}


def reference(X, ppr_scores, ppr_idx, W0, W1, W2, W3):
    # PPRGoMLP forward (dropout=0.0 -> identity)
    h = X @ W0
    h = jax.nn.relu(h) @ W1
    h = jax.nn.relu(h) @ W2
    logits = jax.nn.relu(h) @ W3  # [N_PPR, 1]
    # scatter-sum: propagate weighted logits to dst nodes
    num_segments = N_NODES
    propagated = jax.ops.segment_sum(logits * ppr_scores[:, None], ppr_idx,
                                     num_segments=num_segments)
    return propagated

if __name__ == "__main__":
    import jax
    _d = setup_inputs()
    print(jax.jit(kernel)(*tuple(_d.values())))

</pallas_src>

<mosaic_0001>
#map = affine_map<(d0, d1) -> (0, 0)>
#map1 = affine_map<(d0, d1) -> (0)>
module attributes {stable_mosaic.version = 14 : i64} {
  func.func @_segsum_body(%arg0: i32, %arg1: i32, %arg2: memref<1280x128xf32, #tpu.memory_space<hbm>>, %arg3: memref<1280x128xi32, #tpu.memory_space<hbm>>, %arg4: memref<20480xf32, #tpu.memory_space<hbm>>, %arg5: memref<40x128xf32, #tpu.memory_space<vmem>>, %arg6: memref<40x128xi32, #tpu.memory_space<vmem>>, %arg7: memref<640xf32, #tpu.memory_space<vmem>>, %arg8: memref<10240xf32, #tpu.memory_space<vmem_shared>>, %arg9: memref<!tpu.dma_semaphore, #tpu.memory_space<semaphore_mem>>, %arg10: memref<!tpu.dma_semaphore, #tpu.memory_space<semaphore_mem>>) attributes {dimension_semantics = [#tpu.dimension_semantics<core_parallel>, #tpu.dimension_semantics<subcore_parallel>], iteration_bounds = array<i64: 2, 16>, scalar_prefetch = 0 : i64, scratch_operands = 6 : i64, tpu.core_type = #tpu.core_type<sc_vector_subcore>, window_params = [{transform_indices = #map}, {transform_indices = #map}, {transform_indices = #map1}]} {
    %mul3A = arith.constant 2 : i32
    %mul3A_0 = arith.muli %arg1, %mul3A : i32
    %add3A = arith.addi %mul3A_0, %arg0 : i32
    %mul3A_1 = arith.constant 40 : i32
    %mul3A_2 = arith.muli %add3A, %mul3A_1 : i32
    %multiple_of3A = tpu.assume_multiple %mul3A_2, 40 : i32
    %dma_start3A = arith.constant 0 : i32
    %dma_start3A_3 = tpu.memref_slice %arg2[%multiple_of3A, %dma_start3A] : memref<1280x128xf32, #tpu.memory_space<hbm>> -> memref<40x128xf32, #tpu.memory_space<hbm>>
    %dma_start3A_4 = arith.constant 0 : i32
    %dma_start3A_5 = tpu.memref_slice %arg2[%multiple_of3A, %dma_start3A_4] : memref<1280x128xf32, #tpu.memory_space<hbm>> -> memref<40x128xf32, #tpu.memory_space<hbm>>
    tpu.enqueue_dma source(%dma_start3A_5 : memref<40x128xf32, #tpu.memory_space<hbm>>) target(%arg5 : memref<40x128xf32, #tpu.memory_space<vmem>>) target_semaphore(%arg10 : memref<!tpu.dma_semaphore, #tpu.memory_space<semaphore_mem>>)
    %dma_start3A_6 = arith.constant 0 : i32
    %dma_start3A_7 = tpu.memref_slice %arg3[%multiple_of3A, %dma_start3A_6] : memref<1280x128xi32, #tpu.memory_space<hbm>> -> memref<40x128xi32, #tpu.memory_space<hbm>>
    %dma_start3A_8 = arith.constant 0 : i32
    %dma_start3A_9 = tpu.memref_slice %arg3[%multiple_of3A, %dma_start3A_8] : memref<1280x128xi32, #tpu.memory_space<hbm>> -> memref<40x128xi32, #tpu.memory_space<hbm>>
    tpu.enqueue_dma source(%dma_start3A_9 : memref<40x128xi32, #tpu.memory_space<hbm>>) target(%arg6 : memref<40x128xi32, #tpu.memory_space<vmem>>) target_semaphore(%arg10 : memref<!tpu.dma_semaphore, #tpu.memory_space<semaphore_mem>>)
    %scan3A = arith.constant 0 : i32
    %scan3A_10 = arith.constant 0 : i32
    %scan3A_11 = arith.constant 40 : i32
    %scan3A_12 = arith.addi %scan3A_10, %scan3A_11 : i32
    %scan3A_13 = arith.constant 1 : i32
    scf.for %scan3A_34 = %scan3A_10 to %scan3A_12 step %scan3A_13  : i32 {
      %broadcast_in_dim3A = arith.constant 0.000000e+00 : f32
      %broadcast_in_dim3A_35 = vector.broadcast %broadcast_in_dim3A : f32 to vector<16xf32>
      %mul3A_36 = arith.constant 16 : i32
      %mul3A_37 = arith.muli %scan3A_34, %mul3A_36 : i32
      %multiple_of3A_38 = tpu.assume_multiple %mul3A_37, 16 : i32
      %swap3A = arith.index_cast %multiple_of3A_38 : i32 to index
      %swap3A_39 = tpu.vector_load %arg7[%swap3A] {strides = array<i32>} : memref<640xf32, #tpu.memory_space<vmem>>, vector<16xf32>,
      %swap3A_40 = vector.shape_cast %swap3A_39 : vector<16xf32> to vector<16xf32>
      %swap3A_41 = vector.shape_cast %broadcast_in_dim3A_35 : vector<16xf32> to vector<16xf32>
      tpu.vector_store %arg7[%swap3A], %swap3A_41 {strides = array<i32>} : memref<640xf32, #tpu.memory_space<vmem>>, vector<16xf32>,
    }
    %scan3A_14 = arith.constant 40 : i32
    %mul3A_15 = arith.constant 640 : i32
    %mul3A_16 = arith.muli %arg1, %mul3A_15 : i32
    %multiple_of3A_17 = tpu.assume_multiple %mul3A_16, 8 : i32
    "tpu.region"() ({
      %run_scoped3A = tpu.sem_alloc : memref<!tpu.dma_semaphore, #tpu.memory_space<semaphore_mem>>
      %dma_start3A_34 = tpu.memref_slice %arg8[%multiple_of3A_17] : memref<10240xf32, #tpu.memory_space<vmem_shared>> -> memref<640xf32, #tpu.memory_space<vmem_shared>>
      %dma_start3A_35 = tpu.memref_slice %arg8[%multiple_of3A_17] : memref<10240xf32, #tpu.memory_space<vmem_shared>> -> memref<640xf32, #tpu.memory_space<vmem_shared>>
      tpu.enqueue_dma source(%arg7 : memref<640xf32, #tpu.memory_space<vmem>>) target(%dma_start3A_35 : memref<640xf32, #tpu.memory_space<vmem_shared>>) target_semaphore(%run_scoped3A : memref<!tpu.dma_semaphore, #tpu.memory_space<semaphore_mem>>)
      %dma_wait3A_36 = tpu.memref_slice %arg8[%multiple_of3A_17] : memref<10240xf32, #tpu.memory_space<vmem_shared>> -> memref<640xf32, #tpu.memory_space<vmem_shared>>
      %dma_wait3A_37 = tpu.memref_slice %arg8[%multiple_of3A_17] : memref<10240xf32, #tpu.memory_space<vmem_shared>> -> memref<640xf32, #tpu.memory_space<vmem_shared>>
      tpu.wait_dma2 semaphore(%run_scoped3A : memref<!tpu.dma_semaphore, #tpu.memory_space<semaphore_mem>>) src(%arg7 : memref<640xf32, #tpu.memory_space<vmem>>) dst(%dma_wait3A_37 : memref<640xf32, #tpu.memory_space<vmem_shared>>)
      tpu.yield
    }) : () -> ()
    %dma_wait3A = arith.constant 0 : i32
    %dma_wait3A_18 = tpu.memref_slice %arg2[%multiple_of3A, %dma_wait3A] : memref<1280x128xf32, #tpu.memory_space<hbm>> -> memref<40x128xf32, #tpu.memory_space<hbm>>
    %dma_wait3A_19 = arith.constant 0 : i32
    %dma_wait3A_20 = tpu.memref_slice %arg2[%multiple_of3A, %dma_wait3A_19] : memref<1280x128xf32, #tpu.memory_space<hbm>> -> memref<40x128xf32, #tpu.memory_space<hbm>>
    tpu.wait_dma2 semaphore(%arg10 : memref<!tpu.dma_semaphore, #tpu.memory_space<semaphore_mem>>) src(%dma_wait3A_20 : memref<40x128xf32, #tpu.memory_space<hbm>>) dst(%arg5 : memref<40x128xf32, #tpu.memory_space<vmem>>)
    %dma_wait3A_21 = arith.constant 0 : i32
    %dma_wait3A_22 = tpu.memref_slice %arg3[%multiple_of3A, %dma_wait3A_21] : memref<1280x128xi32, #tpu.memory_space<hbm>> -> memref<40x128xi32, #tpu.memory_space<hbm>>
    %dma_wait3A_23 = arith.constant 0 : i32
    %dma_wait3A_24 = tpu.memref_slice %arg3[%multiple_of3A, %dma_wait3A_23] : memref<1280x128xi32, #tpu.memory_space<hbm>> -> memref<40x128xi32, #tpu.memory_space<hbm>>
    tpu.wait_dma2 semaphore(%arg10 : memref<!tpu.dma_semaphore, #tpu.memory_space<semaphore_mem>>) src(%dma_wait3A_24 : memref<40x128xi32, #tpu.memory_space<hbm>>) dst(%arg6 : memref<40x128xi32, #tpu.memory_space<vmem>>)
    %barrier3A = arith.constant 0 : index
    tpu.barrier barrier_id(%barrier3A)
    %scan3A_25 = arith.constant 0 : i32
    %scan3A_26 = arith.constant 0 : i32
    %scan3A_27 = arith.constant 5 : i32
    %scan3A_28 = arith.addi %scan3A_26, %scan3A_27 : i32
    %scan3A_29 = arith.constant 1 : i32
    scf.for %scan3A_34 = %scan3A_26 to %scan3A_28 step %scan3A_29  : i32 {
      %mul3A_35 = arith.constant 8 : i32
      %mul3A_36 = arith.muli %scan3A_34, %mul3A_35 : i32
      %add3A_37 = arith.constant 0 : i32
      %add3A_38 = arith.addi %mul3A_36, %add3A_37 : i32
      %mul3A_39 = arith.constant 8 : i32
      %mul3A_40 = arith.muli %scan3A_34, %mul3A_39 : i32
      %add3A_41 = arith.constant 0 : i32
      %add3A_42 = arith.addi %mul3A_40, %add3A_41 : i32
      %dma_start3A_43 = arith.constant 0 : i32
      %dma_start3A_44 = tpu.memref_slice %arg5[%add3A_38, %dma_start3A_43] : memref<40x128xf32, #tpu.memory_space<vmem>> -> memref<1x128xf32, #tpu.memory_space<vmem>>
      %dma_start3A_45 = tpu.memref_squeeze %dma_start3A_44 : memref<1x128xf32, #tpu.memory_space<vmem>> -> memref<128xf32, #tpu.memory_space<vmem>>
      %dma_start3A_46 = arith.constant 0 : i32
      %dma_start3A_47 = tpu.memref_slice %arg6[%add3A_42, %dma_start3A_46] : memref<40x128xi32, #tpu.memory_space<vmem>> -> memref<1x128xi32, #tpu.memory_space<vmem>>
      %dma_start3A_48 = tpu.memref_squeeze %dma_start3A_47 : memref<1x128xi32, #tpu.memory_space<vmem>> -> memref<128xi32, #tpu.memory_space<vmem>>
      %dma_start3A_49 = arith.constant 0 : i32
      %dma_start3A_50 = tpu.memref_slice %arg8[%dma_start3A_49] : memref<10240xf32, #tpu.memory_space<vmem_shared>> -> memref<10240xf32, #tpu.memory_space<vmem_shared>>
      tpu.enqueue_indirect_dma source(%dma_start3A_45 : memref<128xf32, #tpu.memory_space<vmem>>) target(%dma_start3A_50 : memref<10240xf32, #tpu.memory_space<vmem_shared>>) offsets(%dma_start3A_48 : memref<128xi32, #tpu.memory_space<vmem>>) semaphore(%arg9 : memref<!tpu.dma_semaphore, #tpu.memory_space<semaphore_mem>>) {add = true}
      %mul3A_51 = arith.constant 8 : i32
      %mul3A_52 = arith.muli %scan3A_34, %mul3A_51 : i32
      %add3A_53 = arith.constant 1 : i32
      %add3A_54 = arith.addi %mul3A_52, %add3A_53 : i32
      %mul3A_55 = arith.constant 8 : i32
      %mul3A_56 = arith.muli %scan3A_34, %mul3A_55 : i32
      %add3A_57 = arith.constant 1 : i32
      %add3A_58 = arith.addi %mul3A_56, %add3A_57 : i32
      %dma_start3A_59 = arith.constant 0 : i32
      %dma_start3A_60 = tpu.memref_slice %arg5[%add3A_54, %dma_start3A_59] : memref<40x128xf32, #tpu.memory_space<vmem>> -> memref<1x128xf32, #tpu.memory_space<vmem>>
      %dma_start3A_61 = tpu.memref_squeeze %dma_start3A_60 : memref<1x128xf32, #tpu.memory_space<vmem>> -> memref<128xf32, #tpu.memory_space<vmem>>
      %dma_start3A_62 = arith.constant 0 : i32
      %dma_start3A_63 = tpu.memref_slice %arg6[%add3A_58, %dma_start3A_62] : memref<40x128xi32, #tpu.memory_space<vmem>> -> memref<1x128xi32, #tpu.memory_space<vmem>>
      %dma_start3A_64 = tpu.memref_squeeze %dma_start3A_63 : memref<1x128xi32, #tpu.memory_space<vmem>> -> memref<128xi32, #tpu.memory_space<vmem>>
      %dma_start3A_65 = arith.constant 0 : i32
      %dma_start3A_66 = tpu.memref_slice %arg8[%dma_start3A_65] : memref<10240xf32, #tpu.memory_space<vmem_shared>> -> memref<10240xf32, #tpu.memory_space<vmem_shared>>
      tpu.enqueue_indirect_dma source(%dma_start3A_61 : memref<128xf32, #tpu.memory_space<vmem>>) target(%dma_start3A_66 : memref<10240xf32, #tpu.memory_space<vmem_shared>>) offsets(%dma_start3A_64 : memref<128xi32, #tpu.memory_space<vmem>>) semaphore(%arg9 : memref<!tpu.dma_semaphore, #tpu.memory_space<semaphore_mem>>) {add = true}
      %mul3A_67 = arith.constant 8 : i32
      %mul3A_68 = arith.muli %scan3A_34, %mul3A_67 : i32
      %add3A_69 = arith.constant 2 : i32
      %add3A_70 = arith.addi %mul3A_68, %add3A_69 : i32
      %mul3A_71 = arith.constant 8 : i32
      %mul3A_72 = arith.muli %scan3A_34, %mul3A_71 : i32
      %add3A_73 = arith.constant 2 : i32
      %add3A_74 = arith.addi %mul3A_72, %add3A_73 : i32
      %dma_start3A_75 = arith.constant 0 : i32
      %dma_start3A_76 = tpu.memref_slice %arg5[%add3A_70, %dma_start3A_75] : memref<40x128xf32, #tpu.memory_space<vmem>> -> memref<1x128xf32, #tpu.memory_space<vmem>>
      %dma_start3A_77 = tpu.memref_squeeze %dma_start3A_76 : memref<1x128xf32, #tpu.memory_space<vmem>> -> memref<128xf32, #tpu.memory_space<vmem>>
      %dma_start3A_78 = arith.constant 0 : i32
      %dma_start3A_79 = tpu.memref_slice %arg6[%add3A_74, %dma_start3A_78] : memref<40x128xi32, #tpu.memory_space<vmem>> -> memref<1x128xi32, #tpu.memory_space<vmem>>
      %dma_start3A_80 = tpu.memref_squeeze %dma_start3A_79 : memref<1x128xi32, #tpu.memory_space<vmem>> -> memref<128xi32, #tpu.memory_space<vmem>>
      %dma_start3A_81 = arith.constant 0 : i32
      %dma_start3A_82 = tpu.memref_slice %arg8[%dma_start3A_81] : memref<10240xf32, #tpu.memory_space<vmem_shared>> -> memref<10240xf32, #tpu.memory_space<vmem_shared>>
      tpu.enqueue_indirect_dma source(%dma_start3A_77 : memref<128xf32, #tpu.memory_space<vmem>>) target(%dma_start3A_82 : memref<10240xf32, #tpu.memory_space<vmem_shared>>) offsets(%dma_start3A_80 : memref<128xi32, #tpu.memory_space<vmem>>) semaphore(%arg9 : memref<!tpu.dma_semaphore, #tpu.memory_space<semaphore_mem>>) {add = true}
      %mul3A_83 = arith.constant 8 : i32
      %mul3A_84 = arith.muli %scan3A_34, %mul3A_83 : i32
      %add3A_85 = arith.constant 3 : i32
      %add3A_86 = arith.addi %mul3A_84, %add3A_85 : i32
      %mul3A_87 = arith.constant 8 : i32
      %mul3A_88 = arith.muli %scan3A_34, %mul3A_87 : i32
      %add3A_89 = arith.constant 3 : i32
      %add3A_90 = arith.addi %mul3A_88, %add3A_89 : i32
      %dma_start3A_91 = arith.constant 0 : i32
      %dma_start3A_92 = tpu.memref_slice %arg5[%add3A_86, %dma_start3A_91] : memref<40x128xf32, #tpu.memory_space<vmem>> -> memref<1x128xf32, #tpu.memory_space<vmem>>
      %dma_start3A_93 = tpu.memref_squeeze %dma_start3A_92 : memref<1x128xf32, #tpu.memory_space<vmem>> -> memref<128xf32, #tpu.memory_space<vmem>>
      %dma_start3A_94 = arith.constant 0 : i32
      %dma_start3A_95 = tpu.memref_slice %arg6[%add3A_90, %dma_start3A_94] : memref<40x128xi32, #tpu.memory_space<vmem>> -> memref<1x128xi32, #tpu.memory_space<vmem>>
      %dma_start3A_96 = tpu.memref_squeeze %dma_start3A_95 : memref<1x128xi32, #tpu.memory_space<vmem>> -> memref<128xi32, #tpu.memory_space<vmem>>
      %dma_start3A_97 = arith.constant 0 : i32
      %dma_start3A_98 = tpu.memref_slice %arg8[%dma_start3A_97] : memref<10240xf32, #tpu.memory_space<vmem_shared>> -> memref<10240xf32, #tpu.memory_space<vmem_shared>>
      tpu.enqueue_indirect_dma source(%dma_start3A_93 : memref<128xf32, #tpu.memory_space<vmem>>) target(%dma_start3A_98 : memref<10240xf32, #tpu.memory_space<vmem_shared>>) offsets(%dma_start3A_96 : memref<128xi32, #tpu.memory_space<vmem>>) semaphore(%arg9 : memref<!tpu.dma_semaphore, #tpu.memory_space<semaphore_mem>>) {add = true}
      %mul3A_99 = arith.constant 8 : i32
      %mul3A_100 = arith.muli %scan3A_34, %mul3A_99 : i32
      %add3A_101 = arith.constant 4 : i32
      %add3A_102 = arith.addi %mul3A_100, %add3A_101 : i32
      %mul3A_103 = arith.constant 8 : i32
      %mul3A_104 = arith.muli %scan3A_34, %mul3A_103 : i32
      %add3A_105 = arith.constant 4 : i32
      %add3A_106 = arith.addi %mul3A_104, %add3A_105 : i32
      %dma_start3A_107 = arith.constant 0 : i32
      %dma_start3A_108 = tpu.memref_slice %arg5[%add3A_102, %dma_start3A_107] : memref<40x128xf32, #tpu.memory_space<vmem>> -> memref<1x128xf32, #tpu.memory_space<vmem>>
      %dma_start3A_109 = tpu.memref_squeeze %dma_start3A_108 : memref<1x128xf32, #tpu.memory_space<vmem>> -> memref<128xf32, #tpu.memory_space<vmem>>
      %dma_start3A_110 = arith.constant 0 : i32
      %dma_start3A_111 = tpu.memref_slice %arg6[%add3A_106, %dma_start3A_110] : memref<40x128xi32, #tpu.memory_space<vmem>> -> memref<1x128xi32, #tpu.memory_space<vmem>>
      %dma_start3A_112 = tpu.memref_squeeze %dma_start3A_111 : memref<1x128xi32, #tpu.memory_space<vmem>> -> memref<128xi32, #tpu.memory_space<vmem>>
      %dma_start3A_113 = arith.constant 0 : i32
      %dma_start3A_114 = tpu.memref_slice %arg8[%dma_start3A_113] : memref<10240xf32, #tpu.memory_space<vmem_shared>> -> memref<10240xf32, #tpu.memory_space<vmem_shared>>
      tpu.enqueue_indirect_dma source(%dma_start3A_109 : memref<128xf32, #tpu.memory_space<vmem>>) target(%dma_start3A_114 : memref<10240xf32, #tpu.memory_space<vmem_shared>>) offsets(%dma_start3A_112 : memref<128xi32, #tpu.memory_space<vmem>>) semaphore(%arg9 : memref<!tpu.dma_semaphore, #tpu.memory_space<semaphore_mem>>) {add = true}
      %mul3A_115 = arith.constant 8 : i32
      %mul3A_116 = arith.muli %scan3A_34, %mul3A_115 : i32
      %add3A_117 = arith.constant 5 : i32
      %add3A_118 = arith.addi %mul3A_116, %add3A_117 : i32
      %mul3A_119 = arith.constant 8 : i32
      %mul3A_120 = arith.muli %scan3A_34, %mul3A_119 : i32
      %add3A_121 = arith.constant 5 : i32
      %add3A_122 = arith.addi %mul3A_120, %add3A_121 : i32
      %dma_start3A_123 = arith.constant 0 : i32
      %dma_start3A_124 = tpu.memref_slice %arg5[%add3A_118, %dma_start3A_123] : memref<40x128xf32, #tpu.memory_space<vmem>> -> memref<1x128xf32, #tpu.memory_space<vmem>>
      %dma_start3A_125 = tpu.memref_squeeze %dma_start3A_124 : memref<1x128xf32, #tpu.memory_space<vmem>> -> memref<128xf32, #tpu.memory_space<vmem>>
      %dma_start3A_126 = arith.constant 0 : i32
      %dma_start3A_127 = tpu.memref_slice %arg6[%add3A_122, %dma_start3A_126] : memref<40x128xi32, #tpu.memory_space<vmem>> -> memref<1x128xi32, #tpu.memory_space<vmem>>
      %dma_start3A_128 = tpu.memref_squeeze %dma_start3A_127 : memref<1x128xi32, #tpu.memory_space<vmem>> -> memref<128xi32, #tpu.memory_space<vmem>>
      %dma_start3A_129 = arith.constant 0 : i32
      %dma_start3A_130 = tpu.memref_slice %arg8[%dma_start3A_129] : memref<10240xf32, #tpu.memory_space<vmem_shared>> -> memref<10240xf32, #tpu.memory_space<vmem_shared>>
      tpu.enqueue_indirect_dma source(%dma_start3A_125 : memref<128xf32, #tpu.memory_space<vmem>>) target(%dma_start3A_130 : memref<10240xf32, #tpu.memory_space<vmem_shared>>) offsets(%dma_start3A_128 : memref<128xi32, #tpu.memory_space<vmem>>) semaphore(%arg9 : memref<!tpu.dma_semaphore, #tpu.memory_space<semaphore_mem>>) {add = true}
      %mul3A_131 = arith.constant 8 : i32
      %mul3A_132 = arith.muli %scan3A_34, %mul3A_131 : i32
      %add3A_133 = arith.constant 6 : i32
      %add3A_134 = arith.addi %mul3A_132, %add3A_133 : i32
      %mul3A_135 = arith.constant 8 : i32
      %mul3A_136 = arith.muli %scan3A_34, %mul3A_135 : i32
      %add3A_137 = arith.constant 6 : i32
      %add3A_138 = arith.addi %mul3A_136, %add3A_137 : i32
      %dma_start3A_139 = arith.constant 0 : i32
      %dma_start3A_140 = tpu.memref_slice %arg5[%add3A_134, %dma_start3A_139] : memref<40x128xf32, #tpu.memory_space<vmem>> -> memref<1x128xf32, #tpu.memory_space<vmem>>
      %dma_start3A_141 = tpu.memref_squeeze %dma_start3A_140 : memref<1x128xf32, #tpu.memory_space<vmem>> -> memref<128xf32, #tpu.memory_space<vmem>>
      %dma_start3A_142 = arith.constant 0 : i32
      %dma_start3A_143 = tpu.memref_slice %arg6[%add3A_138, %dma_start3A_142] : memref<40x128xi32, #tpu.memory_space<vmem>> -> memref<1x128xi32, #tpu.memory_space<vmem>>
      %dma_start3A_144 = tpu.memref_squeeze %dma_start3A_143 : memref<1x128xi32, #tpu.memory_space<vmem>> -> memref<128xi32, #tpu.memory_space<vmem>>
      %dma_start3A_145 = arith.constant 0 : i32
      %dma_start3A_146 = tpu.memref_slice %arg8[%dma_start3A_145] : memref<10240xf32, #tpu.memory_space<vmem_shared>> -> memref<10240xf32, #tpu.memory_space<vmem_shared>>
      tpu.enqueue_indirect_dma source(%dma_start3A_141 : memref<128xf32, #tpu.memory_space<vmem>>) target(%dma_start3A_146 : memref<10240xf32, #tpu.memory_space<vmem_shared>>) offsets(%dma_start3A_144 : memref<128xi32, #tpu.memory_space<vmem>>) semaphore(%arg9 : memref<!tpu.dma_semaphore, #tpu.memory_space<semaphore_mem>>) {add = true}
      %mul3A_147 = arith.constant 8 : i32
      %mul3A_148 = arith.muli %scan3A_34, %mul3A_147 : i32
      %add3A_149 = arith.constant 7 : i32
      %add3A_150 = arith.addi %mul3A_148, %add3A_149 : i32
      %mul3A_151 = arith.constant 8 : i32
      %mul3A_152 = arith.muli %scan3A_34, %mul3A_151 : i32
      %add3A_153 = arith.constant 7 : i32
      %add3A_154 = arith.addi %mul3A_152, %add3A_153 : i32
      %dma_start3A_155 = arith.constant 0 : i32
      %dma_start3A_156 = tpu.memref_slice %arg5[%add3A_150, %dma_start3A_155] : memref<40x128xf32, #tpu.memory_space<vmem>> -> memref<1x128xf32, #tpu.memory_space<vmem>>
      %dma_start3A_157 = tpu.memref_squeeze %dma_start3A_156 : memref<1x128xf32, #tpu.memory_space<vmem>> -> memref<128xf32, #tpu.memory_space<vmem>>
      %dma_start3A_158 = arith.constant 0 : i32
      %dma_start3A_159 = tpu.memref_slice %arg6[%add3A_154, %dma_start3A_158] : memref<40x128xi32, #tpu.memory_space<vmem>> -> memref<1x128xi32, #tpu.memory_space<vmem>>
      %dma_start3A_160 = tpu.memref_squeeze %dma_start3A_159 : memref<1x128xi32, #tpu.memory_space<vmem>> -> memref<128xi32, #tpu.memory_space<vmem>>
      %dma_start3A_161 = arith.constant 0 : i32
      %dma_start3A_162 = tpu.memref_slice %arg8[%dma_start3A_161] : memref<10240xf32, #tpu.memory_space<vmem_shared>> -> memref<10240xf32, #tpu.memory_space<vmem_shared>>
      tpu.enqueue_indirect_dma source(%dma_start3A_157 : memref<128xf32, #tpu.memory_space<vmem>>) target(%dma_start3A_162 : memref<10240xf32, #tpu.memory_space<vmem_shared>>) offsets(%dma_start3A_160 : memref<128xi32, #tpu.memory_space<vmem>>) semaphore(%arg9 : memref<!tpu.dma_semaphore, #tpu.memory_space<semaphore_mem>>) {add = true}
      %dma_wait3A_163 = arith.constant 0 : i32
      %dma_wait3A_164 = tpu.memref_slice %arg5[%add3A_38, %dma_wait3A_163] : memref<40x128xf32, #tpu.memory_space<vmem>> -> memref<1x128xf32, #tpu.memory_space<vmem>>
      %dma_wait3A_165 = tpu.memref_squeeze %dma_wait3A_164 : memref<1x128xf32, #tpu.memory_space<vmem>> -> memref<128xf32, #tpu.memory_space<vmem>>
      %dma_wait3A_166 = arith.constant 0 : i32
      %dma_wait3A_167 = tpu.memref_slice %arg6[%add3A_42, %dma_wait3A_166] : memref<40x128xi32, #tpu.memory_space<vmem>> -> memref<1x128xi32, #tpu.memory_space<vmem>>
      %dma_wait3A_168 = tpu.memref_squeeze %dma_wait3A_167 : memref<1x128xi32, #tpu.memory_space<vmem>> -> memref<128xi32, #tpu.memory_space<vmem>>
      %dma_wait3A_169 = arith.constant 0 : i32
      %dma_wait3A_170 = tpu.memref_slice %arg8[%dma_wait3A_169] : memref<10240xf32, #tpu.memory_space<vmem_shared>> -> memref<10240xf32, #tpu.memory_space<vmem_shared>>
      tpu.wait_indirect_dma semaphore(%arg9 : memref<!tpu.dma_semaphore, #tpu.memory_space<semaphore_mem>>) src(%dma_wait3A_165 : memref<128xf32, #tpu.memory_space<vmem>>) dst(%dma_wait3A_170 : memref<10240xf32, #tpu.memory_space<vmem_shared>>)
      %dma_wait3A_171 = arith.constant 0 : i32
      %dma_wait3A_172 = tpu.memref_slice %arg5[%add3A_54, %dma_wait3A_171] : memref<40x128xf32, #tpu.memory_space<vmem>> -> memref<1x128xf32, #tpu.memory_space<vmem>>
      %dma_wait3A_173 = tpu.memref_squeeze %dma_wait3A_172 : memref<1x128xf32, #tpu.memory_space<vmem>> -> memref<128xf32, #tpu.memory_space<vmem>>
      %dma_wait3A_174 = arith.constant 0 : i32
      %dma_wait3A_175 = tpu.memref_slice %arg6[%add3A_58, %dma_wait3A_174] : memref<40x128xi32, #tpu.memory_space<vmem>> -> memref<1x128xi32, #tpu.memory_space<vmem>>
      %dma_wait3A_176 = tpu.memref_squeeze %dma_wait3A_175 : memref<1x128xi32, #tpu.memory_space<vmem>> -> memref<128xi32, #tpu.memory_space<vmem>>
      %dma_wait3A_177 = arith.constant 0 : i32
      %dma_wait3A_178 = tpu.memref_slice %arg8[%dma_wait3A_177] : memref<10240xf32, #tpu.memory_space<vmem_shared>> -> memref<10240xf32, #tpu.memory_space<vmem_shared>>
      tpu.wait_indirect_dma semaphore(%arg9 : memref<!tpu.dma_semaphore, #tpu.memory_space<semaphore_mem>>) src(%dma_wait3A_173 : memref<128xf32, #tpu.memory_space<vmem>>) dst(%dma_wait3A_178 : memref<10240xf32, #tpu.memory_space<vmem_shared>>)
      %dma_wait3A_179 = arith.constant 0 : i32
      %dma_wait3A_180 = tpu.memref_slice %arg5[%add3A_70, %dma_wait3A_179] : memref<40x128xf32, #tpu.memory_space<vmem>> -> memref<1x128xf32, #tpu.memory_space<vmem>>
      %dma_wait3A_181 = tpu.memref_squeeze %dma_wait3A_180 : memref<1x128xf32, #tpu.memory_space<vmem>> -> memref<128xf32, #tpu.memory_space<vmem>>
      %dma_wait3A_182 = arith.constant 0 : i32
      %dma_wait3A_183 = tpu.memref_slice %arg6[%add3A_74, %dma_wait3A_182] : memref<40x128xi32, #tpu.memory_space<vmem>> -> memref<1x128xi32, #tpu.memory_space<vmem>>
      %dma_wait3A_184 = tpu.memref_squeeze %dma_wait3A_183 : memref<1x128xi32, #tpu.memory_space<vmem>> -> memref<128xi32, #tpu.memory_space<vmem>>
      %dma_wait3A_185 = arith.constant 0 : i32
      %dma_wait3A_186 = tpu.memref_slice %arg8[%dma_wait3A_185] : memref<10240xf32, #tpu.memory_space<vmem_shared>> -> memref<10240xf32, #tpu.memory_space<vmem_shared>>
      tpu.wait_indirect_dma semaphore(%arg9 : memref<!tpu.dma_semaphore, #tpu.memory_space<semaphore_mem>>) src(%dma_wait3A_181 : memref<128xf32, #tpu.memory_space<vmem>>) dst(%dma_wait3A_186 : memref<10240xf32, #tpu.memory_space<vmem_shared>>)
      %dma_wait3A_187 = arith.constant 0 : i32
      %dma_wait3A_188 = tpu.memref_slice %arg5[%add3A_86, %dma_wait3A_187] : memref<40x128xf32, #tpu.memory_space<vmem>> -> memref<1x128xf32, #tpu.memory_space<vmem>>
      %dma_wait3A_189 = tpu.memref_squeeze %dma_wait3A_188 : memref<1x128xf32, #tpu.memory_space<vmem>> -> memref<128xf32, #tpu.memory_space<vmem>>
      %dma_wait3A_190 = arith.constant 0 : i32
      %dma_wait3A_191 = tpu.memref_slice %arg6[%add3A_90, %dma_wait3A_190] : memref<40x128xi32, #tpu.memory_space<vmem>> -> memref<1x128xi32, #tpu.memory_space<vmem>>
      %dma_wait3A_192 = tpu.memref_squeeze %dma_wait3A_191 : memref<1x128xi32, #tpu.memory_space<vmem>> -> memref<128xi32, #tpu.memory_space<vmem>>
      %dma_wait3A_193 = arith.constant 0 : i32
      %dma_wait3A_194 = tpu.memref_slice %arg8[%dma_wait3A_193] : memref<10240xf32, #tpu.memory_space<vmem_shared>> -> memref<10240xf32, #tpu.memory_space<vmem_shared>>
      tpu.wait_indirect_dma semaphore(%arg9 : memref<!tpu.dma_semaphore, #tpu.memory_space<semaphore_mem>>) src(%dma_wait3A_189 : memref<128xf32, #tpu.memory_space<vmem>>) dst(%dma_wait3A_194 : memref<10240xf32, #tpu.memory_space<vmem_shared>>)
      %dma_wait3A_195 = arith.constant 0 : i32
      %dma_wait3A_196 = tpu.memref_slice %arg5[%add3A_102, %dma_wait3A_195] : memref<40x128xf32, #tpu.memory_space<vmem>> -> memref<1x128xf32, #tpu.memory_space<vmem>>
      %dma_wait3A_197 = tpu.memref_squeeze %dma_wait3A_196 : memref<1x128xf32, #tpu.memory_space<vmem>> -> memref<128xf32, #tpu.memory_space<vmem>>
      %dma_wait3A_198 = arith.constant 0 : i32
      %dma_wait3A_199 = tpu.memref_slice %arg6[%add3A_106, %dma_wait3A_198] : memref<40x128xi32, #tpu.memory_space<vmem>> -> memref<1x128xi32, #tpu.memory_space<vmem>>
      %dma_wait3A_200 = tpu.memref_squeeze %dma_wait3A_199 : memref<1x128xi32, #tpu.memory_space<vmem>> -> memref<128xi32, #tpu.memory_space<vmem>>
      %dma_wait3A_201 = arith.constant 0 : i32
      %dma_wait3A_202 = tpu.memref_slice %arg8[%dma_wait3A_201] : memref<10240xf32, #tpu.memory_space<vmem_shared>> -> memref<10240xf32, #tpu.memory_space<vmem_shared>>
      tpu.wait_indirect_dma semaphore(%arg9 : memref<!tpu.dma_semaphore, #tpu.memory_space<semaphore_mem>>) src(%dma_wait3A_197 : memref<128xf32, #tpu.memory_space<vmem>>) dst(%dma_wait3A_202 : memref<10240xf32, #tpu.memory_space<vmem_shared>>)
      %dma_wait3A_203 = arith.constant 0 : i32
      %dma_wait3A_204 = tpu.memref_slice %arg5[%add3A_118, %dma_wait3A_203] : memref<40x128xf32, #tpu.memory_space<vmem>> -> memref<1x128xf32, #tpu.memory_space<vmem>>
      %dma_wait3A_205 = tpu.memref_squeeze %dma_wait3A_204 : memref<1x128xf32, #tpu.memory_space<vmem>> -> memref<128xf32, #tpu.memory_space<vmem>>
      %dma_wait3A_206 = arith.constant 0 : i32
      %dma_wait3A_207 = tpu.memref_slice %arg6[%add3A_122, %dma_wait3A_206] : memref<40x128xi32, #tpu.memory_space<vmem>> -> memref<1x128xi32, #tpu.memory_space<vmem>>
      %dma_wait3A_208 = tpu.memref_squeeze %dma_wait3A_207 : memref<1x128xi32, #tpu.memory_space<vmem>> -> memref<128xi32, #tpu.memory_space<vmem>>
      %dma_wait3A_209 = arith.constant 0 : i32
      %dma_wait3A_210 = tpu.memref_slice %arg8[%dma_wait3A_209] : memref<10240xf32, #tpu.memory_space<vmem_shared>> -> memref<10240xf32, #tpu.memory_space<vmem_shared>>
      tpu.wait_indirect_dma semaphore(%arg9 : memref<!tpu.dma_semaphore, #tpu.memory_space<semaphore_mem>>) src(%dma_wait3A_205 : memref<128xf32, #tpu.memory_space<vmem>>) dst(%dma_wait3A_210 : memref<10240xf32, #tpu.memory_space<vmem_shared>>)
      %dma_wait3A_211 = arith.constant 0 : i32
      %dma_wait3A_212 = tpu.memref_slice %arg5[%add3A_134, %dma_wait3A_211] : memref<40x128xf32, #tpu.memory_space<vmem>> -> memref<1x128xf32, #tpu.memory_space<vmem>>
      %dma_wait3A_213 = tpu.memref_squeeze %dma_wait3A_212 : memref<1x128xf32, #tpu.memory_space<vmem>> -> memref<128xf32, #tpu.memory_space<vmem>>
      %dma_wait3A_214 = arith.constant 0 : i32
      %dma_wait3A_215 = tpu.memref_slice %arg6[%add3A_138, %dma_wait3A_214] : memref<40x128xi32, #tpu.memory_space<vmem>> -> memref<1x128xi32, #tpu.memory_space<vmem>>
      %dma_wait3A_216 = tpu.memref_squeeze %dma_wait3A_215 : memref<1x128xi32, #tpu.memory_space<vmem>> -> memref<128xi32, #tpu.memory_space<vmem>>
      %dma_wait3A_217 = arith.constant 0 : i32
      %dma_wait3A_218 = tpu.memref_slice %arg8[%dma_wait3A_217] : memref<10240xf32, #tpu.memory_space<vmem_shared>> -> memref<10240xf32, #tpu.memory_space<vmem_shared>>
      tpu.wait_indirect_dma semaphore(%arg9 : memref<!tpu.dma_semaphore, #tpu.memory_space<semaphore_mem>>) src(%dma_wait3A_213 : memref<128xf32, #tpu.memory_space<vmem>>) dst(%dma_wait3A_218 : memref<10240xf32, #tpu.memory_space<vmem_shared>>)
      %dma_wait3A_219 = arith.constant 0 : i32
      %dma_wait3A_220 = tpu.memref_slice %arg5[%add3A_150, %dma_wait3A_219] : memref<40x128xf32, #tpu.memory_space<vmem>> -> memref<1x128xf32, #tpu.memory_space<vmem>>
      %dma_wait3A_221 = tpu.memref_squeeze %dma_wait3A_220 : memref<1x128xf32, #tpu.memory_space<vmem>> -> memref<128xf32, #tpu.memory_space<vmem>>
      %dma_wait3A_222 = arith.constant 0 : i32
      %dma_wait3A_223 = tpu.memref_slice %arg6[%add3A_154, %dma_wait3A_222] : memref<40x128xi32, #tpu.memory_space<vmem>> -> memref<1x128xi32, #tpu.memory_space<vmem>>
      %dma_wait3A_224 = tpu.memref_squeeze %dma_wait3A_223 : memref<1x128xi32, #tpu.memory_space<vmem>> -> memref<128xi32, #tpu.memory_space<vmem>>
      %dma_wait3A_225 = arith.constant 0 : i32
      %dma_wait3A_226 = tpu.memref_slice %arg8[%dma_wait3A_225] : memref<10240xf32, #tpu.memory_space<vmem_shared>> -> memref<10240xf32, #tpu.memory_space<vmem_shared>>
      tpu.wait_indirect_dma semaphore(%arg9 : memref<!tpu.dma_semaphore, #tpu.memory_space<semaphore_mem>>) src(%dma_wait3A_221 : memref<128xf32, #tpu.memory_space<vmem>>) dst(%dma_wait3A_226 : memref<10240xf32, #tpu.memory_space<vmem_shared>>)
    }
    %scan3A_30 = arith.constant 5 : i32
    %barrier3A_31 = arith.constant 0 : index
    tpu.barrier barrier_id(%barrier3A_31)
    %eq3A = arith.constant 0 : i32
    %eq3A_32 = arith.cmpi eq, %arg1, %eq3A : i32
    %convert_element_type3A = arith.extui %eq3A_32 : i1 to i32
    %cond3A = arith.constant 0 : i32
    %cond3A_33 = arith.cmpi ne, %convert_element_type3A, %cond3A : i32
    scf.if %cond3A_33 {
      %mul3A_34 = arith.constant 10240 : i32
      %mul3A_35 = arith.muli %arg0, %mul3A_34 : i32
      %multiple_of3A_36 = tpu.assume_multiple %mul3A_35, 10240 : i32
      "tpu.region"() ({
        %run_scoped3A = tpu.sem_alloc : memref<!tpu.dma_semaphore, #tpu.memory_space<semaphore_mem>>
        %dma_start3A_37 = tpu.memref_slice %arg4[%multiple_of3A_36] : memref<20480xf32, #tpu.memory_space<hbm>> -> memref<10240xf32, #tpu.memory_space<hbm>>
        tpu.enqueue_dma source(%arg8 : memref<10240xf32, #tpu.memory_space<vmem_shared>>) target(%dma_start3A_37 : memref<10240xf32, #tpu.memory_space<hbm>>) target_semaphore(%run_scoped3A : memref<!tpu.dma_semaphore, #tpu.memory_space<semaphore_mem>>)
        %dma_wait3A_38 = tpu.memref_slice %arg4[%multiple_of3A_36] : memref<20480xf32, #tpu.memory_space<hbm>> -> memref<10240xf32, #tpu.memory_space<hbm>>
        tpu.wait_dma2 semaphore(%run_scoped3A : memref<!tpu.dma_semaphore, #tpu.memory_space<semaphore_mem>>) src(%arg8 : memref<10240xf32, #tpu.memory_space<vmem_shared>>) dst(%dma_wait3A_38 : memref<10240xf32, #tpu.memory_space<hbm>>)
        tpu.yield
      }) : () -> ()
    } else {
    }
    return
  }
}

#map = affine_map<(d0, d1) -> (0, 0)>
#map1 = affine_map<(d0, d1) -> (0)>
module attributes {stable_mosaic.version = 14 : i64} {
  func.func @_segsum_body(%arg0: i32, %arg1: i32, %arg2: memref<1280x128xf32, #tpu.memory_space<hbm>>, %arg3: memref<1280x128xi32, #tpu.memory_space<hbm>>, %arg4: memref<20480xf32, #tpu.memory_space<hbm>>, %arg5: memref<40x128xf32, #tpu.memory_space<vmem>>, %arg6: memref<40x128xi32, #tpu.memory_space<vmem>>, %arg7: memref<640xf32, #tpu.memory_space<vmem>>, %arg8: memref<10240xf32, #tpu.memory_space<vmem_shared>>, %arg9: memref<!tpu.dma_semaphore, #tpu.memory_space<semaphore_mem>>, %arg10: memref<!tpu.dma_semaphore, #tpu.memory_space<semaphore_mem>>) attributes {dimension_semantics = [#tpu.dimension_semantics<core_parallel>, #tpu.dimension_semantics<subcore_parallel>], iteration_bounds = array<i64: 2, 16>, scalar_prefetch = 0 : i64, scratch_operands = 6 : i64, tpu.core_type = #tpu.core_type<sc_vector_subcore>, window_params = [{transform_indices = #map}, {transform_indices = #map}, {transform_indices = #map1}]} {
    %mul3A = arith.constant 2 : i32
    %mul3A_0 = arith.muli %arg1, %mul3A : i32
    %add3A = arith.addi %mul3A_0, %arg0 : i32
    %mul3A_1 = arith.constant 40 : i32
    %mul3A_2 = arith.muli %add3A, %mul3A_1 : i32
    %multiple_of3A = tpu.assume_multiple %mul3A_2, 40 : i32
    %dma_start3A = arith.constant 0 : i32
    %dma_start3A_3 = tpu.memref_slice %arg2[%multiple_of3A, %dma_start3A] : memref<1280x128xf32, #tpu.memory_space<hbm>> -> memref<40x128xf32, #tpu.memory_space<hbm>>
    %dma_start3A_4 = arith.constant 0 : i32
    %dma_start3A_5 = tpu.memref_slice %arg2[%multiple_of3A, %dma_start3A_4] : memref<1280x128xf32, #tpu.memory_space<hbm>> -> memref<40x128xf32, #tpu.memory_space<hbm>>
    tpu.enqueue_dma source(%dma_start3A_5 : memref<40x128xf32, #tpu.memory_space<hbm>>) target(%arg5 : memref<40x128xf32, #tpu.memory_space<vmem>>) target_semaphore(%arg10 : memref<!tpu.dma_semaphore, #tpu.memory_space<semaphore_mem>>)
    %dma_start3A_6 = arith.constant 0 : i32
    %dma_start3A_7 = tpu.memref_slice %arg3[%multiple_of3A, %dma_start3A_6] : memref<1280x128xi32, #tpu.memory_space<hbm>> -> memref<40x128xi32, #tpu.memory_space<hbm>>
    %dma_start3A_8 = arith.constant 0 : i32
    %dma_start3A_9 = tpu.memref_slice %arg3[%multiple_of3A, %dma_start3A_8] : memref<1280x128xi32, #tpu.memory_space<hbm>> -> memref<40x128xi32, #tpu.memory_space<hbm>>
    tpu.enqueue_dma source(%dma_start3A_9 : memref<40x128xi32, #tpu.memory_space<hbm>>) target(%arg6 : memref<40x128xi32, #tpu.memory_space<vmem>>) target_semaphore(%arg10 : memref<!tpu.dma_semaphore, #tpu.memory_space<semaphore_mem>>)
    %scan3A = arith.constant 0 : i32
    %scan3A_10 = arith.constant 0 : i32
    %scan3A_11 = arith.constant 40 : i32
    %scan3A_12 = arith.addi %scan3A_10, %scan3A_11 : i32
    %scan3A_13 = arith.constant 1 : i32
    scf.for %scan3A_34 = %scan3A_10 to %scan3A_12 step %scan3A_13  : i32 {
      %broadcast_in_dim3A = arith.constant 0.000000e+00 : f32
      %broadcast_in_dim3A_35 = vector.broadcast %broadcast_in_dim3A : f32 to vector<16xf32>
      %mul3A_36 = arith.constant 16 : i32
      %mul3A_37 = arith.muli %scan3A_34, %mul3A_36 : i32
      %multiple_of3A_38 = tpu.assume_multiple %mul3A_37, 16 : i32
      %swap3A = arith.index_cast %multiple_of3A_38 : i32 to index
      %swap3A_39 = tpu.vector_load %arg7[%swap3A] {strides = array<i32>} : memref<640xf32, #tpu.memory_space<vmem>>, vector<16xf32>,
      %swap3A_40 = vector.shape_cast %swap3A_39 : vector<16xf32> to vector<16xf32>
      %swap3A_41 = vector.shape_cast %broadcast_in_dim3A_35 : vector<16xf32> to vector<16xf32>
      tpu.vector_store %arg7[%swap3A], %swap3A_41 {strides = array<i32>} : memref<640xf32, #tpu.memory_space<vmem>>, vector<16xf32>,
    }
    %scan3A_14 = arith.constant 40 : i32
    %mul3A_15 = arith.constant 640 : i32
    %mul3A_16 = arith.muli %arg1, %mul3A_15 : i32
    %multiple_of3A_17 = tpu.assume_multiple %mul3A_16, 8 : i32
    "tpu.region"() ({
      %run_scoped3A = tpu.sem_alloc : memref<!tpu.dma_semaphore, #tpu.memory_space<semaphore_mem>>
      %dma_start3A_34 = tpu.memref_slice %arg8[%multiple_of3A_17] : memref<10240xf32, #tpu.memory_space<vmem_shared>> -> memref<640xf32, #tpu.memory_space<vmem_shared>>
      %dma_start3A_35 = tpu.memref_slice %arg8[%multiple_of3A_17] : memref<10240xf32, #tpu.memory_space<vmem_shared>> -> memref<640xf32, #tpu.memory_space<vmem_shared>>
      tpu.enqueue_dma source(%arg7 : memref<640xf32, #tpu.memory_space<vmem>>) target(%dma_start3A_35 : memref<640xf32, #tpu.memory_space<vmem_shared>>) target_semaphore(%run_scoped3A : memref<!tpu.dma_semaphore, #tpu.memory_space<semaphore_mem>>)
      %dma_wait3A_36 = tpu.memref_slice %arg8[%multiple_of3A_17] : memref<10240xf32, #tpu.memory_space<vmem_shared>> -> memref<640xf32, #tpu.memory_space<vmem_shared>>
      %dma_wait3A_37 = tpu.memref_slice %arg8[%multiple_of3A_17] : memref<10240xf32, #tpu.memory_space<vmem_shared>> -> memref<640xf32, #tpu.memory_space<vmem_shared>>
      tpu.wait_dma2 semaphore(%run_scoped3A : memref<!tpu.dma_semaphore, #tpu.memory_space<semaphore_mem>>) src(%arg7 : memref<640xf32, #tpu.memory_space<vmem>>) dst(%dma_wait3A_37 : memref<640xf32, #tpu.memory_space<vmem_shared>>)
      tpu.yield
    }) : () -> ()
    %dma_wait3A = arith.constant 0 : i32
    %dma_wait3A_18 = tpu.memref_slice %arg2[%multiple_of3A, %dma_wait3A] : memref<1280x128xf32, #tpu.memory_space<hbm>> -> memref<40x128xf32, #tpu.memory_space<hbm>>
    %dma_wait3A_19 = arith.constant 0 : i32
    %dma_wait3A_20 = tpu.memref_slice %arg2[%multiple_of3A, %dma_wait3A_19] : memref<1280x128xf32, #tpu.memory_space<hbm>> -> memref<40x128xf32, #tpu.memory_space<hbm>>
    tpu.wait_dma2 semaphore(%arg10 : memref<!tpu.dma_semaphore, #tpu.memory_space<semaphore_mem>>) src(%dma_wait3A_20 : memref<40x128xf32, #tpu.memory_space<hbm>>) dst(%arg5 : memref<40x128xf32, #tpu.memory_space<vmem>>)
    %dma_wait3A_21 = arith.constant 0 : i32
    %dma_wait3A_22 = tpu.memref_slice %arg3[%multiple_of3A, %dma_wait3A_21] : memref<1280x128xi32, #tpu.memory_space<hbm>> -> memref<40x128xi32, #tpu.memory_space<hbm>>
    %dma_wait3A_23 = arith.constant 0 : i32
    %dma_wait3A_24 = tpu.memref_slice %arg3[%multiple_of3A, %dma_wait3A_23] : memref<1280x128xi32, #tpu.memory_space<hbm>> -> memref<40x128xi32, #tpu.memory_space<hbm>>
    tpu.wait_dma2 semaphore(%arg10 : memref<!tpu.dma_semaphore, #tpu.memory_space<semaphore_mem>>) src(%dma_wait3A_24 : memref<40x128xi32, #tpu.memory_space<hbm>>) dst(%arg6 : memref<40x128xi32, #tpu.memory_space<vmem>>)
    %barrier3A = arith.constant 0 : index
    tpu.barrier barrier_id(%barrier3A)
    %scan3A_25 = arith.constant 0 : i32
    %scan3A_26 = arith.constant 0 : i32
    %scan3A_27 = arith.constant 5 : i32
    %scan3A_28 = arith.addi %scan3A_26, %scan3A_27 : i32
    %scan3A_29 = arith.constant 1 : i32
    scf.for %scan3A_34 = %scan3A_26 to %scan3A_28 step %scan3A_29  : i32 {
      %mul3A_35 = arith.constant 8 : i32
      %mul3A_36 = arith.muli %scan3A_34, %mul3A_35 : i32
      %add3A_37 = arith.constant 0 : i32
      %add3A_38 = arith.addi %mul3A_36, %add3A_37 : i32
      %mul3A_39 = arith.constant 8 : i32
      %mul3A_40 = arith.muli %scan3A_34, %mul3A_39 : i32
      %add3A_41 = arith.constant 0 : i32
      %add3A_42 = arith.addi %mul3A_40, %add3A_41 : i32
      %dma_start3A_43 = arith.constant 0 : i32
      %dma_start3A_44 = tpu.memref_slice %arg5[%add3A_38, %dma_start3A_43] : memref<40x128xf32, #tpu.memory_space<vmem>> -> memref<1x128xf32, #tpu.memory_space<vmem>>
      %dma_start3A_45 = tpu.memref_squeeze %dma_start3A_44 : memref<1x128xf32, #tpu.memory_space<vmem>> -> memref<128xf32, #tpu.memory_space<vmem>>
      %dma_start3A_46 = arith.constant 0 : i32
      %dma_start3A_47 = tpu.memref_slice %arg6[%add3A_42, %dma_start3A_46] : memref<40x128xi32, #tpu.memory_space<vmem>> -> memref<1x128xi32, #tpu.memory_space<vmem>>
      %dma_start3A_48 = tpu.memref_squeeze %dma_start3A_47 : memref<1x128xi32, #tpu.memory_space<vmem>> -> memref<128xi32, #tpu.memory_space<vmem>>
      %dma_start3A_49 = arith.constant 0 : i32
      %dma_start3A_50 = tpu.memref_slice %arg8[%dma_start3A_49] : memref<10240xf32, #tpu.memory_space<vmem_shared>> -> memref<10240xf32, #tpu.memory_space<vmem_shared>>
      tpu.enqueue_indirect_dma source(%dma_start3A_45 : memref<128xf32, #tpu.memory_space<vmem>>) target(%dma_start3A_50 : memref<10240xf32, #tpu.memory_space<vmem_shared>>) offsets(%dma_start3A_48 : memref<128xi32, #tpu.memory_space<vmem>>) semaphore(%arg9 : memref<!tpu.dma_semaphore, #tpu.memory_space<semaphore_mem>>) {add = true}
      %mul3A_51 = arith.constant 8 : i32
      %mul3A_52 = arith.muli %scan3A_34, %mul3A_51 : i32
      %add3A_53 = arith.constant 1 : i32
      %add3A_54 = arith.addi %mul3A_52, %add3A_53 : i32
      %mul3A_55 = arith.constant 8 : i32
      %mul3A_56 = arith.muli %scan3A_34, %mul3A_55 : i32
      %add3A_57 = arith.constant 1 : i32
      %add3A_58 = arith.addi %mul3A_56, %add3A_57 : i32
      %dma_start3A_59 = arith.constant 0 : i32
      %dma_start3A_60 = tpu.memref_slice %arg5[%add3A_54, %dma_start3A_59] : memref<40x128xf32, #tpu.memory_space<vmem>> -> memref<1x128xf32, #tpu.memory_space<vmem>>
      %dma_start3A_61 = tpu.memref_squeeze %dma_start3A_60 : memref<1x128xf32, #tpu.memory_space<vmem>> -> memref<128xf32, #tpu.memory_space<vmem>>
      %dma_start3A_62 = arith.constant 0 : i32
      %dma_start3A_63 = tpu.memref_slice %arg6[%add3A_58, %dma_start3A_62] : memref<40x128xi32, #tpu.memory_space<vmem>> -> memref<1x128xi32, #tpu.memory_space<vmem>>
      %dma_start3A_64 = tpu.memref_squeeze %dma_start3A_63 : memref<1x128xi32, #tpu.memory_space<vmem>> -> memref<128xi32, #tpu.memory_space<vmem>>
      %dma_start3A_65 = arith.constant 0 : i32
      %dma_start3A_66 = tpu.memref_slice %arg8[%dma_start3A_65] : memref<10240xf32, #tpu.memory_space<vmem_shared>> -> memref<10240xf32, #tpu.memory_space<vmem_shared>>
      tpu.enqueue_indirect_dma source(%dma_start3A_61 : memref<128xf32, #tpu.memory_space<vmem>>) target(%dma_start3A_66 : memref<10240xf32, #tpu.memory_space<vmem_shared>>) offsets(%dma_start3A_64 : memref<128xi32, #tpu.memory_space<vmem>>) semaphore(%arg9 : memref<!tpu.dma_semaphore, #tpu.memory_space<semaphore_mem>>) {add = true}
      %mul3A_67 = arith.constant 8 : i32
      %mul3A_68 = arith.muli %scan3A_34, %mul3A_67 : i32
      %add3A_69 = arith.constant 2 : i32
      %add3A_70 = arith.addi %mul3A_68, %add3A_69 : i32
      %mul3A_71 = arith.constant 8 : i32
      %mul3A_72 = arith.muli %scan3A_34, %mul3A_71 : i32
      %add3A_73 = arith.constant 2 : i32
      %add3A_74 = arith.addi %mul3A_72, %add3A_73 : i32
      %dma_start3A_75 = arith.constant 0 : i32
      %dma_start3A_76 = tpu.memref_slice %arg5[%add3A_70, %dma_start3A_75] : memref<40x128xf32, #tpu.memory_space<vmem>> -> memref<1x128xf32, #tpu.memory_space<vmem>>
      %dma_start3A_77 = tpu.memref_squeeze %dma_start3A_76 : memref<1x128xf32, #tpu.memory_space<vmem>> -> memref<128xf32, #tpu.memory_space<vmem>>
      %dma_start3A_78 = arith.constant 0 : i32
      %dma_start3A_79 = tpu.memref_slice %arg6[%add3A_74, %dma_start3A_78] : memref<40x128xi32, #tpu.memory_space<vmem>> -> memref<1x128xi32, #tpu.memory_space<vmem>>
      %dma_start3A_80 = tpu.memref_squeeze %dma_start3A_79 : memref<1x128xi32, #tpu.memory_space<vmem>> -> memref<128xi32, #tpu.memory_space<vmem>>
      %dma_start3A_81 = arith.constant 0 : i32
      %dma_start3A_82 = tpu.memref_slice %arg8[%dma_start3A_81] : memref<10240xf32, #tpu.memory_space<vmem_shared>> -> memref<10240xf32, #tpu.memory_space<vmem_shared>>
      tpu.enqueue_indirect_dma source(%dma_start3A_77 : memref<128xf32, #tpu.memory_space<vmem>>) target(%dma_start3A_82 : memref<10240xf32, #tpu.memory_space<vmem_shared>>) offsets(%dma_start3A_80 : memref<128xi32, #tpu.memory_space<vmem>>) semaphore(%arg9 : memref<!tpu.dma_semaphore, #tpu.memory_space<semaphore_mem>>) {add = true}
      %mul3A_83 = arith.constant 8 : i32
      %mul3A_84 = arith.muli %scan3A_34, %mul3A_83 : i32
      %add3A_85 = arith.constant 3 : i32
      %add3A_86 = arith.addi %mul3A_84, %add3A_85 : i32
      %mul3A_87 = arith.constant 8 : i32
      %mul3A_88 = arith.muli %scan3A_34, %mul3A_87 : i32
      %add3A_89 = arith.constant 3 : i32
      %add3A_90 = arith.addi %mul3A_88, %add3A_89 : i32
      %dma_start3A_91 = arith.constant 0 : i32
      %dma_start3A_92 = tpu.memref_slice %arg5[%add3A_86, %dma_start3A_91] : memref<40x128xf32, #tpu.memory_space<vmem>> -> memref<1x128xf32, #tpu.memory_space<vmem>>
      %dma_start3A_93 = tpu.memref_squeeze %dma_start3A_92 : memref<1x128xf32, #tpu.memory_space<vmem>> -> memref<128xf32, #tpu.memory_space<vmem>>
      %dma_start3A_94 = arith.constant 0 : i32
      %dma_start3A_95 = tpu.memref_slice %arg6[%add3A_90, %dma_start3A_94] : memref<40x128xi32, #tpu.memory_space<vmem>> -> memref<1x128xi32, #tpu.memory_space<vmem>>
      %dma_start3A_96 = tpu.memref_squeeze %dma_start3A_95 : memref<1x128xi32, #tpu.memory_space<vmem>> -> memref<128xi32, #tpu.memory_space<vmem>>
      %dma_start3A_97 = arith.constant 0 : i32
      %dma_start3A_98 = tpu.memref_slice %arg8[%dma_start3A_97] : memref<10240xf32, #tpu.memory_space<vmem_shared>> -> memref<10240xf32, #tpu.memory_space<vmem_shared>>
      tpu.enqueue_indirect_dma source(%dma_start3A_93 : memref<128xf32, #tpu.memory_space<vmem>>) target(%dma_start3A_98 : memref<10240xf32, #tpu.memory_space<vmem_shared>>) offsets(%dma_start3A_96 : memref<128xi32, #tpu.memory_space<vmem>>) semaphore(%arg9 : memref<!tpu.dma_semaphore, #tpu.memory_space<semaphore_mem>>) {add = true}
      %mul3A_99 = arith.constant 8 : i32
      %mul3A_100 = arith.muli %scan3A_34, %mul3A_99 : i32
      %add3A_101 = arith.constant 4 : i32
      %add3A_102 = arith.addi %mul3A_100, %add3A_101 : i32
      %mul3A_103 = arith.constant 8 : i32
      %mul3A_104 = arith.muli %scan3A_34, %mul3A_103 : i32
      %add3A_105 = arith.constant 4 : i32
      %add3A_106 = arith.addi %mul3A_104, %add3A_105 : i32
      %dma_start3A_107 = arith.constant 0 : i32
      %dma_start3A_108 = tpu.memref_slice %arg5[%add3A_102, %dma_start3A_107] : memref<40x128xf32, #tpu.memory_space<vmem>> -> memref<1x128xf32, #tpu.memory_space<vmem>>
      %dma_start3A_109 = tpu.memref_squeeze %dma_start3A_108 : memref<1x128xf32, #tpu.memory_space<vmem>> -> memref<128xf32, #tpu.memory_space<vmem>>
      %dma_start3A_110 = arith.constant 0 : i32
      %dma_start3A_111 = tpu.memref_slice %arg6[%add3A_106, %dma_start3A_110] : memref<40x128xi32, #tpu.memory_space<vmem>> -> memref<1x128xi32, #tpu.memory_space<vmem>>
      %dma_start3A_112 = tpu.memref_squeeze %dma_start3A_111 : memref<1x128xi32, #tpu.memory_space<vmem>> -> memref<128xi32, #tpu.memory_space<vmem>>
      %dma_start3A_113 = arith.constant 0 : i32
      %dma_start3A_114 = tpu.memref_slice %arg8[%dma_start3A_113] : memref<10240xf32, #tpu.memory_space<vmem_shared>> -> memref<10240xf32, #tpu.memory_space<vmem_shared>>
      tpu.enqueue_indirect_dma source(%dma_start3A_109 : memref<128xf32, #tpu.memory_space<vmem>>) target(%dma_start3A_114 : memref<10240xf32, #tpu.memory_space<vmem_shared>>) offsets(%dma_start3A_112 : memref<128xi32, #tpu.memory_space<vmem>>) semaphore(%arg9 : memref<!tpu.dma_semaphore, #tpu.memory_space<semaphore_mem>>) {add = true}
      %mul3A_115 = arith.constant 8 : i32
      %mul3A_116 = arith.muli %scan3A_34, %mul3A_115 : i32
      %add3A_117 = arith.constant 5 : i32
      %add3A_118 = arith.addi %mul3A_116, %add3A_117 : i32
      %mul3A_119 = arith.constant 8 : i32
      %mul3A_120 = arith.muli %scan3A_34, %mul3A_119 : i32
      %add3A_121 = arith.constant 5 : i32
      %add3A_122 = arith.addi %mul3A_120, %add3A_121 : i32
      %dma_start3A_123 = arith.constant 0 : i32
      %dma_start3A_124 = tpu.memref_slice %arg5[%add3A_118, %dma_start3A_123] : memref<40x128xf32, #tpu.memory_space<vmem>> -> memref<1x128xf32, #tpu.memory_space<vmem>>
      %dma_start3A_125 = tpu.memref_squeeze %dma_start3A_124 : memref<1x128xf32, #tpu.memory_space<vmem>> -> memref<128xf32, #tpu.memory_space<vmem>>
      %dma_start3A_126 = arith.constant 0 : i32
      %dma_start3A_127 = tpu.memref_slice %arg6[%add3A_122, %dma_start3A_126] : memref<40x128xi32, #tpu.memory_space<vmem>> -> memref<1x128xi32, #tpu.memory_space<vmem>>
      %dma_start3A_128 = tpu.memref_squeeze %dma_start3A_127 : memref<1x128xi32, #tpu.memory_space<vmem>> -> memref<128xi32, #tpu.memory_space<vmem>>
      %dma_start3A_129 = arith.constant 0 : i32
      %dma_start3A_130 = tpu.memref_slice %arg8[%dma_start3A_129] : memref<10240xf32, #tpu.memory_space<vmem_shared>> -> memref<10240xf32, #tpu.memory_space<vmem_shared>>
      tpu.enqueue_indirect_dma source(%dma_start3A_125 : memref<128xf32, #tpu.memory_space<vmem>>) target(%dma_start3A_130 : memref<10240xf32, #tpu.memory_space<vmem_shared>>) offsets(%dma_start3A_128 : memref<128xi32, #tpu.memory_space<vmem>>) semaphore(%arg9 : memref<!tpu.dma_semaphore, #tpu.memory_space<semaphore_mem>>) {add = true}
      %mul3A_131 = arith.constant 8 : i32
      %mul3A_132 = arith.muli %scan3A_34, %mul3A_131 : i32
      %add3A_133 = arith.constant 6 : i32
      %add3A_134 = arith.addi %mul3A_132, %add3A_133 : i32
      %mul3A_135 = arith.constant 8 : i32
      %mul3A_136 = arith.muli %scan3A_34, %mul3A_135 : i32
      %add3A_137 = arith.constant 6 : i32
      %add3A_138 = arith.addi %mul3A_136, %add3A_137 : i32
      %dma_start3A_139 = arith.constant 0 : i32
      %dma_start3A_140 = tpu.memref_slice %arg5[%add3A_134, %dma_start3A_139] : memref<40x128xf32, #tpu.memory_space<vmem>> -> memref<1x128xf32, #tpu.memory_space<vmem>>
      %dma_start3A_141 = tpu.memref_squeeze %dma_start3A_140 : memref<1x128xf32, #tpu.memory_space<vmem>> -> memref<128xf32, #tpu.memory_space<vmem>>
      %dma_start3A_142 = arith.constant 0 : i32
      %dma_start3A_143 = tpu.memref_slice %arg6[%add3A_138, %dma_start3A_142] : memref<40x128xi32, #tpu.memory_space<vmem>> -> memref<1x128xi32, #tpu.memory_space<vmem>>
      %dma_start3A_144 = tpu.memref_squeeze %dma_start3A_143 : memref<1x128xi32, #tpu.memory_space<vmem>> -> memref<128xi32, #tpu.memory_space<vmem>>
      %dma_start3A_145 = arith.constant 0 : i32
      %dma_start3A_146 = tpu.memref_slice %arg8[%dma_start3A_145] : memref<10240xf32, #tpu.memory_space<vmem_shared>> -> memref<10240xf32, #tpu.memory_space<vmem_shared>>
      tpu.enqueue_indirect_dma source(%dma_start3A_141 : memref<128xf32, #tpu.memory_space<vmem>>) target(%dma_start3A_146 : memref<10240xf32, #tpu.memory_space<vmem_shared>>) offsets(%dma_start3A_144 : memref<128xi32, #tpu.memory_space<vmem>>) semaphore(%arg9 : memref<!tpu.dma_semaphore, #tpu.memory_space<semaphore_mem>>) {add = true}
      %mul3A_147 = arith.constant 8 : i32
      %mul3A_148 = arith.muli %scan3A_34, %mul3A_147 : i32
      %add3A_149 = arith.constant 7 : i32
      %add3A_150 = arith.addi %mul3A_148, %add3A_149 : i32
      %mul3A_151 = arith.constant 8 : i32
      %mul3A_152 = arith.muli %scan3A_34, %mul3A_151 : i32
      %add3A_153 = arith.constant 7 : i32
      %add3A_154 = arith.addi %mul3A_152, %add3A_153 : i32
      %dma_start3A_155 = arith.constant 0 : i32
      %dma_start3A_156 = tpu.memref_slice %arg5[%add3A_150, %dma_start3A_155] : memref<40x128xf32, #tpu.memory_space<vmem>> -> memref<1x128xf32, #tpu.memory_space<vmem>>
      %dma_start3A_157 = tpu.memref_squeeze %dma_start3A_156 : memref<1x128xf32, #tpu.memory_space<vmem>> -> memref<128xf32, #tpu.memory_space<vmem>>
      %dma_start3A_158 = arith.constant 0 : i32
      %dma_start3A_159 = tpu.memref_slice %arg6[%add3A_154, %dma_start3A_158] : memref<40x128xi32, #tpu.memory_space<vmem>> -> memref<1x128xi32, #tpu.memory_space<vmem>>
      %dma_start3A_160 = tpu.memref_squeeze %dma_start3A_159 : memref<1x128xi32, #tpu.memory_space<vmem>> -> memref<128xi32, #tpu.memory_space<vmem>>
      %dma_start3A_161 = arith.constant 0 : i32
      %dma_start3A_162 = tpu.memref_slice %arg8[%dma_start3A_161] : memref<10240xf32, #tpu.memory_space<vmem_shared>> -> memref<10240xf32, #tpu.memory_space<vmem_shared>>
      tpu.enqueue_indirect_dma source(%dma_start3A_157 : memref<128xf32, #tpu.memory_space<vmem>>) target(%dma_start3A_162 : memref<10240xf32, #tpu.memory_space<vmem_shared>>) offsets(%dma_start3A_160 : memref<128xi32, #tpu.memory_space<vmem>>) semaphore(%arg9 : memref<!tpu.dma_semaphore, #tpu.memory_space<semaphore_mem>>) {add = true}
      %dma_wait3A_163 = arith.constant 0 : i32
      %dma_wait3A_164 = tpu.memref_slice %arg5[%add3A_38, %dma_wait3A_163] : memref<40x128xf32, #tpu.memory_space<vmem>> -> memref<1x128xf32, #tpu.memory_space<vmem>>
      %dma_wait3A_165 = tpu.memref_squeeze %dma_wait3A_164 : memref<1x128xf32, #tpu.memory_space<vmem>> -> memref<128xf32, #tpu.memory_space<vmem>>
      %dma_wait3A_166 = arith.constant 0 : i32
      %dma_wait3A_167 = tpu.memref_slice %arg6[%add3A_42, %dma_wait3A_166] : memref<40x128xi32, #tpu.memory_space<vmem>> -> memref<1x128xi32, #tpu.memory_space<vmem>>
      %dma_wait3A_168 = tpu.memref_squeeze %dma_wait3A_167 : memref<1x128xi32, #tpu.memory_space<vmem>> -> memref<128xi32, #tpu.memory_space<vmem>>
      %dma_wait3A_169 = arith.constant 0 : i32
      %dma_wait3A_170 = tpu.memref_slice %arg8[%dma_wait3A_169] : memref<10240xf32, #tpu.memory_space<vmem_shared>> -> memref<10240xf32, #tpu.memory_space<vmem_shared>>
      tpu.wait_indirect_dma semaphore(%arg9 : memref<!tpu.dma_semaphore, #tpu.memory_space<semaphore_mem>>) src(%dma_wait3A_165 : memref<128xf32, #tpu.memory_space<vmem>>) dst(%dma_wait3A_170 : memref<10240xf32, #tpu.memory_space<vmem_shared>>)
      %dma_wait3A_171 = arith.constant 0 : i32
      %dma_wait3A_172 = tpu.memref_slice %arg5[%add3A_54, %dma_wait3A_171] : memref<40x128xf32, #tpu.memory_space<vmem>> -> memref<1x128xf32, #tpu.memory_space<vmem>>
      %dma_wait3A_173 = tpu.memref_squeeze %dma_wait3A_172 : memref<1x128xf32, #tpu.memory_space<vmem>> -> memref<128xf32, #tpu.memory_space<vmem>>
      %dma_wait3A_174 = arith.constant 0 : i32
      %dma_wait3A_175 = tpu.memref_slice %arg6[%add3A_58, %dma_wait3A_174] : memref<40x128xi32, #tpu.memory_space<vmem>> -> memref<1x128xi32, #tpu.memory_space<vmem>>
      %dma_wait3A_176 = tpu.memref_squeeze %dma_wait3A_175 : memref<1x128xi32, #tpu.memory_space<vmem>> -> memref<128xi32, #tpu.memory_space<vmem>>
      %dma_wait3A_177 = arith.constant 0 : i32
      %dma_wait3A_178 = tpu.memref_slice %arg8[%dma_wait3A_177] : memref<10240xf32, #tpu.memory_space<vmem_shared>> -> memref<10240xf32, #tpu.memory_space<vmem_shared>>
      tpu.wait_indirect_dma semaphore(%arg9 : memref<!tpu.dma_semaphore, #tpu.memory_space<semaphore_mem>>) src(%dma_wait3A_173 : memref<128xf32, #tpu.memory_space<vmem>>) dst(%dma_wait3A_178 : memref<10240xf32, #tpu.memory_space<vmem_shared>>)
      %dma_wait3A_179 = arith.constant 0 : i32
      %dma_wait3A_180 = tpu.memref_slice %arg5[%add3A_70, %dma_wait3A_179] : memref<40x128xf32, #tpu.memory_space<vmem>> -> memref<1x128xf32, #tpu.memory_space<vmem>>
      %dma_wait3A_181 = tpu.memref_squeeze %dma_wait3A_180 : memref<1x128xf32, #tpu.memory_space<vmem>> -> memref<128xf32, #tpu.memory_space<vmem>>
      %dma_wait3A_182 = arith.constant 0 : i32
      %dma_wait3A_183 = tpu.memref_slice %arg6[%add3A_74, %dma_wait3A_182] : memref<40x128xi32, #tpu.memory_space<vmem>> -> memref<1x128xi32, #tpu.memory_space<vmem>>
      %dma_wait3A_184 = tpu.memref_squeeze %dma_wait3A_183 : memref<1x128xi32, #tpu.memory_space<vmem>> -> memref<128xi32, #tpu.memory_space<vmem>>
      %dma_wait3A_185 = arith.constant 0 : i32
      %dma_wait3A_186 = tpu.memref_slice %arg8[%dma_wait3A_185] : memref<10240xf32, #tpu.memory_space<vmem_shared>> -> memref<10240xf32, #tpu.memory_space<vmem_shared>>
      tpu.wait_indirect_dma semaphore(%arg9 : memref<!tpu.dma_semaphore, #tpu.memory_space<semaphore_mem>>) src(%dma_wait3A_181 : memref<128xf32, #tpu.memory_space<vmem>>) dst(%dma_wait3A_186 : memref<10240xf32, #tpu.memory_space<vmem_shared>>)
      %dma_wait3A_187 = arith.constant 0 : i32
      %dma_wait3A_188 = tpu.memref_slice %arg5[%add3A_86, %dma_wait3A_187] : memref<40x128xf32, #tpu.memory_space<vmem>> -> memref<1x128xf32, #tpu.memory_space<vmem>>
      %dma_wait3A_189 = tpu.memref_squeeze %dma_wait3A_188 : memref<1x128xf32, #tpu.memory_space<vmem>> -> memref<128xf32, #tpu.memory_space<vmem>>
      %dma_wait3A_190 = arith.constant 0 : i32
      %dma_wait3A_191 = tpu.memref_slice %arg6[%add3A_90, %dma_wait3A_190] : memref<40x128xi32, #tpu.memory_space<vmem>> -> memref<1x128xi32, #tpu.memory_space<vmem>>
      %dma_wait3A_192 = tpu.memref_squeeze %dma_wait3A_191 : memref<1x128xi32, #tpu.memory_space<vmem>> -> memref<128xi32, #tpu.memory_space<vmem>>
      %dma_wait3A_193 = arith.constant 0 : i32
      %dma_wait3A_194 = tpu.memref_slice %arg8[%dma_wait3A_193] : memref<10240xf32, #tpu.memory_space<vmem_shared>> -> memref<10240xf32, #tpu.memory_space<vmem_shared>>
      tpu.wait_indirect_dma semaphore(%arg9 : memref<!tpu.dma_semaphore, #tpu.memory_space<semaphore_mem>>) src(%dma_wait3A_189 : memref<128xf32, #tpu.memory_space<vmem>>) dst(%dma_wait3A_194 : memref<10240xf32, #tpu.memory_space<vmem_shared>>)
      %dma_wait3A_195 = arith.constant 0 : i32
      %dma_wait3A_196 = tpu.memref_slice %arg5[%add3A_102, %dma_wait3A_195] : memref<40x128xf32, #tpu.memory_space<vmem>> -> memref<1x128xf32, #tpu.memory_space<vmem>>
      %dma_wait3A_197 = tpu.memref_squeeze %dma_wait3A_196 : memref<1x128xf32, #tpu.memory_space<vmem>> -> memref<128xf32, #tpu.memory_space<vmem>>
      %dma_wait3A_198 = arith.constant 0 : i32
      %dma_wait3A_199 = tpu.memref_slice %arg6[%add3A_106, %dma_wait3A_198] : memref<40x128xi32, #tpu.memory_space<vmem>> -> memref<1x128xi32, #tpu.memory_space<vmem>>
      %dma_wait3A_200 = tpu.memref_squeeze %dma_wait3A_199 : memref<1x128xi32, #tpu.memory_space<vmem>> -> memref<128xi32, #tpu.memory_space<vmem>>
      %dma_wait3A_201 = arith.constant 0 : i32
      %dma_wait3A_202 = tpu.memref_slice %arg8[%dma_wait3A_201] : memref<10240xf32, #tpu.memory_space<vmem_shared>> -> memref<10240xf32, #tpu.memory_space<vmem_shared>>
      tpu.wait_indirect_dma semaphore(%arg9 : memref<!tpu.dma_semaphore, #tpu.memory_space<semaphore_mem>>) src(%dma_wait3A_197 : memref<128xf32, #tpu.memory_space<vmem>>) dst(%dma_wait3A_202 : memref<10240xf32, #tpu.memory_space<vmem_shared>>)
      %dma_wait3A_203 = arith.constant 0 : i32
      %dma_wait3A_204 = tpu.memref_slice %arg5[%add3A_118, %dma_wait3A_203] : memref<40x128xf32, #tpu.memory_space<vmem>> -> memref<1x128xf32, #tpu.memory_space<vmem>>
      %dma_wait3A_205 = tpu.memref_squeeze %dma_wait3A_204 : memref<1x128xf32, #tpu.memory_space<vmem>> -> memref<128xf32, #tpu.memory_space<vmem>>
      %dma_wait3A_206 = arith.constant 0 : i32
      %dma_wait3A_207 = tpu.memref_slice %arg6[%add3A_122, %dma_wait3A_206] : memref<40x128xi32, #tpu.memory_space<vmem>> -> memref<1x128xi32, #tpu.memory_space<vmem>>
      %dma_wait3A_208 = tpu.memref_squeeze %dma_wait3A_207 : memref<1x128xi32, #tpu.memory_space<vmem>> -> memref<128xi32, #tpu.memory_space<vmem>>
      %dma_wait3A_209 = arith.constant 0 : i32
      %dma_wait3A_210 = tpu.memref_slice %arg8[%dma_wait3A_209] : memref<10240xf32, #tpu.memory_space<vmem_shared>> -> memref<10240xf32, #tpu.memory_space<vmem_shared>>
      tpu.wait_indirect_dma semaphore(%arg9 : memref<!tpu.dma_semaphore, #tpu.memory_space<semaphore_mem>>) src(%dma_wait3A_205 : memref<128xf32, #tpu.memory_space<vmem>>) dst(%dma_wait3A_210 : memref<10240xf32, #tpu.memory_space<vmem_shared>>)
      %dma_wait3A_211 = arith.constant 0 : i32
      %dma_wait3A_212 = tpu.memref_slice %arg5[%add3A_134, %dma_wait3A_211] : memref<40x128xf32, #tpu.memory_space<vmem>> -> memref<1x128xf32, #tpu.memory_space<vmem>>
      %dma_wait3A_213 = tpu.memref_squeeze %dma_wait3A_212 : memref<1x128xf32, #tpu.memory_space<vmem>> -> memref<128xf32, #tpu.memory_space<vmem>>
      %dma_wait3A_214 = arith.constant 0 : i32
      %dma_wait3A_215 = tpu.memref_slice %arg6[%add3A_138, %dma_wait3A_214] : memref<40x128xi32, #tpu.memory_space<vmem>> -> memref<1x128xi32, #tpu.memory_space<vmem>>
      %dma_wait3A_216 = tpu.memref_squeeze %dma_wait3A_215 : memref<1x128xi32, #tpu.memory_space<vmem>> -> memref<128xi32, #tpu.memory_space<vmem>>
      %dma_wait3A_217 = arith.constant 0 : i32
      %dma_wait3A_218 = tpu.memref_slice %arg8[%dma_wait3A_217] : memref<10240xf32, #tpu.memory_space<vmem_shared>> -> memref<10240xf32, #tpu.memory_space<vmem_shared>>
      tpu.wait_indirect_dma semaphore(%arg9 : memref<!tpu.dma_semaphore, #tpu.memory_space<semaphore_mem>>) src(%dma_wait3A_213 : memref<128xf32, #tpu.memory_space<vmem>>) dst(%dma_wait3A_218 : memref<10240xf32, #tpu.memory_space<vmem_shared>>)
      %dma_wait3A_219 = arith.constant 0 : i32
      %dma_wait3A_220 = tpu.memref_slice %arg5[%add3A_150, %dma_wait3A_219] : memref<40x128xf32, #tpu.memory_space<vmem>> -> memref<1x128xf32, #tpu.memory_space<vmem>>
      %dma_wait3A_221 = tpu.memref_squeeze %dma_wait3A_220 : memref<1x128xf32, #tpu.memory_space<vmem>> -> memref<128xf32, #tpu.memory_space<vmem>>
      %dma_wait3A_222 = arith.constant 0 : i32
      %dma_wait3A_223 = tpu.memref_slice %arg6[%add3A_154, %dma_wait3A_222] : memref<40x128xi32, #tpu.memory_space<vmem>> -> memref<1x128xi32, #tpu.memory_space<vmem>>
      %dma_wait3A_224 = tpu.memref_squeeze %dma_wait3A_223 : memref<1x128xi32, #tpu.memory_space<vmem>> -> memref<128xi32, #tpu.memory_space<vmem>>
      %dma_wait3A_225 = arith.constant 0 : i32
      %dma_wait3A_226 = tpu.memref_slice %arg8[%dma_wait3A_225] : memref<10240xf32, #tpu.memory_space<vmem_shared>> -> memref<10240xf32, #tpu.memory_space<vmem_shared>>
      tpu.wait_indirect_dma semaphore(%arg9 : memref<!tpu.dma_semaphore, #tpu.memory_space<semaphore_mem>>) src(%dma_wait3A_221 : memref<128xf32, #tpu.memory_space<vmem>>) dst(%dma_wait3A_226 : memref<10240xf32, #tpu.memory_space<vmem_shared>>)
    }
    %scan3A_30 = arith.constant 5 : i32
    %barrier3A_31 = arith.constant 0 : index
    tpu.barrier barrier_id(%barrier3A_31)
    %eq3A = arith.constant 0 : i32
    %eq3A_32 = arith.cmpi eq, %arg1, %eq3A : i32
    %convert_element_type3A = arith.extui %eq3A_32 : i1 to i32
    %cond3A = arith.constant 0 : i32
    %cond3A_33 = arith.cmpi ne, %convert_element_type3A, %cond3A : i32
    scf.if %cond3A_33 {
      %mul3A_34 = arith.constant 10240 : i32
      %mul3A_35 = arith.muli %arg0, %mul3A_34 : i32
      %multiple_of3A_36 = tpu.assume_multiple %mul3A_35, 10240 : i32
      "tpu.region"() ({
        %run_scoped3A = tpu.sem_alloc : memref<!tpu.dma_semaphore, #tpu.memory_space<semaphore_mem>>
        %dma_start3A_37 = tpu.memref_slice %arg4[%multiple_of3A_36] : memref<20480xf32, #tpu.memory_space<hbm>> -> memref<10240xf32, #tpu.memory_space<hbm>>
        tpu.enqueue_dma source(%arg8 : memref<10240xf32, #tpu.memory_space<vmem_shared>>) target(%dma_start3A_37 : memref<10240xf32, #tpu.memory_space<hbm>>) target_semaphore(%run_scoped3A : memref<!tpu.dma_semaphore, #tpu.memory_space<semaphore_mem>>)
        %dma_wait3A_38 = tpu.memref_slice %arg4[%multiple_of3A_36] : memref<20480xf32, #tpu.memory_space<hbm>> -> memref<10240xf32, #tpu.memory_space<hbm>>
        tpu.wait_dma2 semaphore(%run_scoped3A : memref<!tpu.dma_semaphore, #tpu.memory_space<semaphore_mem>>) src(%arg8 : memref<10240xf32, #tpu.memory_space<vmem_shared>>) dst(%dma_wait3A_38 : memref<10240xf32, #tpu.memory_space<hbm>>)
        tpu.yield
      }) : () -> ()
    } else {
    }
    return
  }
}

module attributes {stable_mosaic.version = 14 : i64} {
  func.func @_mlp_body(%arg0: i32, %arg1: memref<16000x128xf32, #tpu.memory_space<vmem>>, %arg2: memref<1x125x128xf32, #tpu.memory_space<vmem>>, %arg3: memref<128x256xf32, #tpu.memory_space<vmem>>, %arg4: memref<256x256xf32, #tpu.memory_space<vmem>>, %arg5: memref<256x256xf32, #tpu.memory_space<vmem>>, %arg6: memref<256x1xf32, #tpu.memory_space<vmem>>, %arg7: memref<1x125x128xf32, #tpu.memory_space<vmem>>) attributes {dimension_semantics = [#tpu.dimension_semantics<parallel>], iteration_bounds = array<i64: 10>, scalar_prefetch = 0 : i64, scratch_operands = 0 : i64, tpu.core_type = #tpu.core_type<tc>, window_params = [{transform_indices = @transform_0, window_bounds = array<i64: 16000, 128>}, {transform_indices = @transform_1, window_bounds = array<i64: 1, 125, 128>}, {pipeline_mode = #tpu.pipeline_mode<synchronous>, transform_indices = @transform_2, window_bounds = array<i64: 128, 256>}, {pipeline_mode = #tpu.pipeline_mode<synchronous>, transform_indices = @transform_3, window_bounds = array<i64: 256, 256>}, {pipeline_mode = #tpu.pipeline_mode<synchronous>, transform_indices = @transform_4, window_bounds = array<i64: 256, 256>}, {pipeline_mode = #tpu.pipeline_mode<synchronous>, transform_indices = @transform_5, window_bounds = array<i64: 256, 1>}, {transform_indices = @transform_6, window_bounds = array<i64: 1, 125, 128>}]} {
    %get3A = arith.constant 0 : index
    %get3A_0 = arith.constant 0 : index
    %get3A_1 = vector.load %arg1[%get3A, %get3A_0] : memref<16000x128xf32, #tpu.memory_space<vmem>>, vector<16000x128xf32>
    %convert_element_type3A = arith.truncf %get3A_1 : vector<16000x128xf32> to vector<16000x128xbf16>
    %get3A_2 = arith.constant 0 : index
    %get3A_3 = arith.constant 0 : index
    %get3A_4 = vector.load %arg3[%get3A_2, %get3A_3] : memref<128x256xf32, #tpu.memory_space<vmem>>, vector<128x256xf32>
    %convert_element_type3A_5 = arith.truncf %get3A_4 : vector<128x256xf32> to vector<128x256xbf16>
    %dot_general3A = arith.constant dense<0.000000e+00> : vector<16000x256xf32>
    %dot_general3A_6 = tpu.matmul %convert_element_type3A, %convert_element_type3A_5, %dot_general3A {dimension_numbers = #tpu.dot_dimension_numbers<[1], [0], [0], [1], [0, 0, 1, 1], [], []>, transpose_lhs_hint = false} : vector<16000x128xbf16>, vector<128x256xbf16>, vector<16000x256xf32> -> vector<16000x256xf32>
    %max3A = arith.constant 0.000000e+00 : f32
    %max3A_7 = vector.broadcast %max3A : f32 to vector<16000x256xf32>
    %max3A_8 = arith.maximumf %dot_general3A_6, %max3A_7 : vector<16000x256xf32>
    %convert_element_type3A_9 = arith.truncf %max3A_8 : vector<16000x256xf32> to vector<16000x256xbf16>
    %get3A_10 = arith.constant 0 : index
    %get3A_11 = arith.constant 0 : index
    %get3A_12 = vector.load %arg4[%get3A_10, %get3A_11] : memref<256x256xf32, #tpu.memory_space<vmem>>, vector<256x256xf32>
    %convert_element_type3A_13 = arith.truncf %get3A_12 : vector<256x256xf32> to vector<256x256xbf16>
    %dot_general3A_14 = arith.constant dense<0.000000e+00> : vector<16000x256xf32>
    %dot_general3A_15 = tpu.matmul %convert_element_type3A_9, %convert_element_type3A_13, %dot_general3A_14 {dimension_numbers = #tpu.dot_dimension_numbers<[1], [0], [0], [1], [0, 0, 1, 1], [], []>, transpose_lhs_hint = false} : vector<16000x256xbf16>, vector<256x256xbf16>, vector<16000x256xf32> -> vector<16000x256xf32>
    %max3A_16 = arith.constant 0.000000e+00 : f32
    %max3A_17 = vector.broadcast %max3A_16 : f32 to vector<16000x256xf32>
    %max3A_18 = arith.maximumf %dot_general3A_15, %max3A_17 : vector<16000x256xf32>
    %convert_element_type3A_19 = arith.truncf %max3A_18 : vector<16000x256xf32> to vector<16000x256xbf16>
    %get3A_20 = arith.constant 0 : index
    %get3A_21 = arith.constant 0 : index
    %get3A_22 = vector.load %arg5[%get3A_20, %get3A_21] : memref<256x256xf32, #tpu.memory_space<vmem>>, vector<256x256xf32>
    %convert_element_type3A_23 = arith.truncf %get3A_22 : vector<256x256xf32> to vector<256x256xbf16>
    %dot_general3A_24 = arith.constant dense<0.000000e+00> : vector<16000x256xf32>
    %dot_general3A_25 = tpu.matmul %convert_element_type3A_19, %convert_element_type3A_23, %dot_general3A_24 {dimension_numbers = #tpu.dot_dimension_numbers<[1], [0], [0], [1], [0, 0, 1, 1], [], []>, transpose_lhs_hint = false} : vector<16000x256xbf16>, vector<256x256xbf16>, vector<16000x256xf32> -> vector<16000x256xf32>
    %max3A_26 = arith.constant 0.000000e+00 : f32
    %max3A_27 = vector.broadcast %max3A_26 : f32 to vector<16000x256xf32>
    %max3A_28 = arith.maximumf %dot_general3A_25, %max3A_27 : vector<16000x256xf32>
    %convert_element_type3A_29 = arith.truncf %max3A_28 : vector<16000x256xf32> to vector<16000x256xbf16>
    %get3A_30 = arith.constant 0 : index
    %get3A_31 = arith.constant 0 : index
    %get3A_32 = vector.load %arg6[%get3A_30, %get3A_31] : memref<256x1xf32, #tpu.memory_space<vmem>>, vector<256x1xf32>
    %convert_element_type3A_33 = arith.truncf %get3A_32 : vector<256x1xf32> to vector<256x1xbf16>
    %dot_general3A_34 = arith.constant dense<0.000000e+00> : vector<16000x1xf32>
    %dot_general3A_35 = tpu.matmul %convert_element_type3A_29, %convert_element_type3A_33, %dot_general3A_34 {dimension_numbers = #tpu.dot_dimension_numbers<[1], [0], [0], [1], [0, 0, 1, 1], [], []>, transpose_lhs_hint = false} : vector<16000x256xbf16>, vector<256x1xbf16>, vector<16000x1xf32> -> vector<16000x1xf32>
    %reshape3A = vector.shape_cast %dot_general3A_35 : vector<16000x1xf32> to vector<125x128xf32>
    %get3A_36 = arith.constant 0 : index
    %get3A_37 = arith.constant 0 : index
    %get3A_38 = arith.constant 0 : index
    %get3A_39 = vector.load %arg2[%get3A_36, %get3A_37, %get3A_38] : memref<1x125x128xf32, #tpu.memory_space<vmem>>, vector<1x125x128xf32>
    %get3A_40 = vector.shape_cast %get3A_39 : vector<1x125x128xf32> to vector<125x128xf32>
    %mul3A = arith.mulf %reshape3A, %get3A_40 : vector<125x128xf32>
    %broadcast_in_dim3A = vector.shape_cast %mul3A : vector<125x128xf32> to vector<1x125x128xf32>
    %swap3A = arith.constant 0 : index
    %swap3A_41 = arith.constant 0 : index
    %swap3A_42 = arith.constant 0 : index
    %swap3A_43 = vector.load %arg7[%swap3A, %swap3A_41, %swap3A_42] : memref<1x125x128xf32, #tpu.memory_space<vmem>>, vector<1x125x128xf32>
    tpu.vector_store %arg7[%swap3A, %swap3A_41, %swap3A_42], %broadcast_in_dim3A {strides = array<i32>} : memref<1x125x128xf32, #tpu.memory_space<vmem>>, vector<1x125x128xf32>,
    return
  }
  func.func @transform_0(%arg0: i32) -> (i32, i32) {
    %add3A = arith.constant 0 : i32
    %add3A_0 = arith.addi %arg0, %add3A : i32
    %c0_i32 = arith.constant 0 : i32
    %c0_i32_1 = arith.constant 0 : i32
    return %add3A_0, %c0_i32 : i32, i32
  }
  func.func @transform_1(%arg0: i32) -> (i32, i32, i32) {
    %add3A = arith.constant 0 : i32
    %add3A_0 = arith.addi %arg0, %add3A : i32
    %c0_i32 = arith.constant 0 : i32
    %c0_i32_1 = arith.constant 0 : i32
    %c0_i32_2 = arith.constant 0 : i32
    return %add3A_0, %c0_i32, %c0_i32_1 : i32, i32, i32
  }
  func.func @transform_2(%arg0: i32) -> (i32, i32) {
    %c0_i32 = arith.constant 0 : i32
    %c0_i32_0 = arith.constant 0 : i32
    %c0_i32_1 = arith.constant 0 : i32
    return %c0_i32, %c0_i32_0 : i32, i32
  }
  func.func @transform_3(%arg0: i32) -> (i32, i32) {
    %c0_i32 = arith.constant 0 : i32
    %c0_i32_0 = arith.constant 0 : i32
    %c0_i32_1 = arith.constant 0 : i32
    return %c0_i32, %c0_i32_0 : i32, i32
  }
  func.func @transform_4(%arg0: i32) -> (i32, i32) {
    %c0_i32 = arith.constant 0 : i32
    %c0_i32_0 = arith.constant 0 : i32
    %c0_i32_1 = arith.constant 0 : i32
    return %c0_i32, %c0_i32_0 : i32, i32
  }
  func.func @transform_5(%arg0: i32) -> (i32, i32) {
    %c0_i32 = arith.constant 0 : i32
    %c0_i32_0 = arith.constant 0 : i32
    %c0_i32_1 = arith.constant 0 : i32
    return %c0_i32, %c0_i32_0 : i32, i32
  }
  func.func @transform_6(%arg0: i32) -> (i32, i32, i32) {
    %c0_i32 = arith.constant 0 : i32
    %c0_i32_0 = arith.constant 0 : i32
    %c0_i32_1 = arith.constant 0 : i32
    return %arg0, %c0_i32, %c0_i32_0 : i32, i32, i32
  }
}

module attributes {stable_mosaic.version = 14 : i64} {
  func.func @_mlp_body(%arg0: i32, %arg1: memref<16000x128xf32, #tpu.memory_space<vmem>>, %arg2: memref<1x125x128xf32, #tpu.memory_space<vmem>>, %arg3: memref<128x256xf32, #tpu.memory_space<vmem>>, %arg4: memref<256x256xf32, #tpu.memory_space<vmem>>, %arg5: memref<256x256xf32, #tpu.memory_space<vmem>>, %arg6: memref<256x1xf32, #tpu.memory_space<vmem>>, %arg7: memref<1x125x128xf32, #tpu.memory_space<vmem>>) attributes {dimension_semantics = [#tpu.dimension_semantics<parallel>], iteration_bounds = array<i64: 10>, scalar_prefetch = 0 : i64, scratch_operands = 0 : i64, tpu.core_type = #tpu.core_type<tc>, window_params = [{transform_indices = @transform_0, window_bounds = array<i64: 16000, 128>}, {transform_indices = @transform_1, window_bounds = array<i64: 1, 125, 128>}, {pipeline_mode = #tpu.pipeline_mode<synchronous>, transform_indices = @transform_2, window_bounds = array<i64: 128, 256>}, {pipeline_mode = #tpu.pipeline_mode<synchronous>, transform_indices = @transform_3, window_bounds = array<i64: 256, 256>}, {pipeline_mode = #tpu.pipeline_mode<synchronous>, transform_indices = @transform_4, window_bounds = array<i64: 256, 256>}, {pipeline_mode = #tpu.pipeline_mode<synchronous>, transform_indices = @transform_5, window_bounds = array<i64: 256, 1>}, {transform_indices = @transform_6, window_bounds = array<i64: 1, 125, 128>}]} {
    %get3A = arith.constant 0 : index
    %get3A_0 = arith.constant 0 : index
    %get3A_1 = vector.load %arg1[%get3A, %get3A_0] : memref<16000x128xf32, #tpu.memory_space<vmem>>, vector<16000x128xf32>
    %convert_element_type3A = arith.truncf %get3A_1 : vector<16000x128xf32> to vector<16000x128xbf16>
    %get3A_2 = arith.constant 0 : index
    %get3A_3 = arith.constant 0 : index
    %get3A_4 = vector.load %arg3[%get3A_2, %get3A_3] : memref<128x256xf32, #tpu.memory_space<vmem>>, vector<128x256xf32>
    %convert_element_type3A_5 = arith.truncf %get3A_4 : vector<128x256xf32> to vector<128x256xbf16>
    %dot_general3A = arith.constant dense<0.000000e+00> : vector<16000x256xf32>
    %dot_general3A_6 = tpu.matmul %convert_element_type3A, %convert_element_type3A_5, %dot_general3A {dimension_numbers = #tpu.dot_dimension_numbers<[1], [0], [0], [1], [0, 0, 1, 1], [], []>, transpose_lhs_hint = false} : vector<16000x128xbf16>, vector<128x256xbf16>, vector<16000x256xf32> -> vector<16000x256xf32>
    %max3A = arith.constant 0.000000e+00 : f32
    %max3A_7 = vector.broadcast %max3A : f32 to vector<16000x256xf32>
    %max3A_8 = arith.maximumf %dot_general3A_6, %max3A_7 : vector<16000x256xf32>
    %convert_element_type3A_9 = arith.truncf %max3A_8 : vector<16000x256xf32> to vector<16000x256xbf16>
    %get3A_10 = arith.constant 0 : index
    %get3A_11 = arith.constant 0 : index
    %get3A_12 = vector.load %arg4[%get3A_10, %get3A_11] : memref<256x256xf32, #tpu.memory_space<vmem>>, vector<256x256xf32>
    %convert_element_type3A_13 = arith.truncf %get3A_12 : vector<256x256xf32> to vector<256x256xbf16>
    %dot_general3A_14 = arith.constant dense<0.000000e+00> : vector<16000x256xf32>
    %dot_general3A_15 = tpu.matmul %convert_element_type3A_9, %convert_element_type3A_13, %dot_general3A_14 {dimension_numbers = #tpu.dot_dimension_numbers<[1], [0], [0], [1], [0, 0, 1, 1], [], []>, transpose_lhs_hint = false} : vector<16000x256xbf16>, vector<256x256xbf16>, vector<16000x256xf32> -> vector<16000x256xf32>
    %max3A_16 = arith.constant 0.000000e+00 : f32
    %max3A_17 = vector.broadcast %max3A_16 : f32 to vector<16000x256xf32>
    %max3A_18 = arith.maximumf %dot_general3A_15, %max3A_17 : vector<16000x256xf32>
    %convert_element_type3A_19 = arith.truncf %max3A_18 : vector<16000x256xf32> to vector<16000x256xbf16>
    %get3A_20 = arith.constant 0 : index
    %get3A_21 = arith.constant 0 : index
    %get3A_22 = vector.load %arg5[%get3A_20, %get3A_21] : memref<256x256xf32, #tpu.memory_space<vmem>>, vector<256x256xf32>
    %convert_element_type3A_23 = arith.truncf %get3A_22 : vector<256x256xf32> to vector<256x256xbf16>
    %dot_general3A_24 = arith.constant dense<0.000000e+00> : vector<16000x256xf32>
    %dot_general3A_25 = tpu.matmul %convert_element_type3A_19, %convert_element_type3A_23, %dot_general3A_24 {dimension_numbers = #tpu.dot_dimension_numbers<[1], [0], [0], [1], [0, 0, 1, 1], [], []>, transpose_lhs_hint = false} : vector<16000x256xbf16>, vector<256x256xbf16>, vector<16000x256xf32> -> vector<16000x256xf32>
    %max3A_26 = arith.constant 0.000000e+00 : f32
    %max3A_27 = vector.broadcast %max3A_26 : f32 to vector<16000x256xf32>
    %max3A_28 = arith.maximumf %dot_general3A_25, %max3A_27 : vector<16000x256xf32>
    %convert_element_type3A_29 = arith.truncf %max3A_28 : vector<16000x256xf32> to vector<16000x256xbf16>
    %get3A_30 = arith.constant 0 : index
    %get3A_31 = arith.constant 0 : index
    %get3A_32 = vector.load %arg6[%get3A_30, %get3A_31] : memref<256x1xf32, #tpu.memory_space<vmem>>, vector<256x1xf32>
    %convert_element_type3A_33 = arith.truncf %get3A_32 : vector<256x1xf32> to vector<256x1xbf16>
    %dot_general3A_34 = arith.constant dense<0.000000e+00> : vector<16000x1xf32>
    %dot_general3A_35 = tpu.matmul %convert_element_type3A_29, %convert_element_type3A_33, %dot_general3A_34 {dimension_numbers = #tpu.dot_dimension_numbers<[1], [0], [0], [1], [0, 0, 1, 1], [], []>, transpose_lhs_hint = false} : vector<16000x256xbf16>, vector<256x1xbf16>, vector<16000x1xf32> -> vector<16000x1xf32>
    %reshape3A = vector.shape_cast %dot_general3A_35 : vector<16000x1xf32> to vector<125x128xf32>
    %get3A_36 = arith.constant 0 : index
    %get3A_37 = arith.constant 0 : index
    %get3A_38 = arith.constant 0 : index
    %get3A_39 = vector.load %arg2[%get3A_36, %get3A_37, %get3A_38] : memref<1x125x128xf32, #tpu.memory_space<vmem>>, vector<1x125x128xf32>
    %get3A_40 = vector.shape_cast %get3A_39 : vector<1x125x128xf32> to vector<125x128xf32>
    %mul3A = arith.mulf %reshape3A, %get3A_40 : vector<125x128xf32>
    %broadcast_in_dim3A = vector.shape_cast %mul3A : vector<125x128xf32> to vector<1x125x128xf32>
    %swap3A = arith.constant 0 : index
    %swap3A_41 = arith.constant 0 : index
    %swap3A_42 = arith.constant 0 : index
    %swap3A_43 = vector.load %arg7[%swap3A, %swap3A_41, %swap3A_42] : memref<1x125x128xf32, #tpu.memory_space<vmem>>, vector<1x125x128xf32>
    tpu.vector_store %arg7[%swap3A, %swap3A_41, %swap3A_42], %broadcast_in_dim3A {strides = array<i32>} : memref<1x125x128xf32, #tpu.memory_space<vmem>>, vector<1x125x128xf32>,
    return
  }
  func.func @transform_0(%arg0: i32) -> (i32, i32) {
    %add3A = arith.constant 10 : i32
    %add3A_0 = arith.addi %arg0, %add3A : i32
    %c0_i32 = arith.constant 0 : i32
    %c0_i32_1 = arith.constant 0 : i32
    return %add3A_0, %c0_i32 : i32, i32
  }
  func.func @transform_1(%arg0: i32) -> (i32, i32, i32) {
    %add3A = arith.constant 10 : i32
    %add3A_0 = arith.addi %arg0, %add3A : i32
    %c0_i32 = arith.constant 0 : i32
    %c0_i32_1 = arith.constant 0 : i32
    %c0_i32_2 = arith.constant 0 : i32
    return %add3A_0, %c0_i32, %c0_i32_1 : i32, i32, i32
  }
  func.func @transform_2(%arg0: i32) -> (i32, i32) {
    %c0_i32 = arith.constant 0 : i32
    %c0_i32_0 = arith.constant 0 : i32
    %c0_i32_1 = arith.constant 0 : i32
    return %c0_i32, %c0_i32_0 : i32, i32
  }
  func.func @transform_3(%arg0: i32) -> (i32, i32) {
    %c0_i32 = arith.constant 0 : i32
    %c0_i32_0 = arith.constant 0 : i32
    %c0_i32_1 = arith.constant 0 : i32
    return %c0_i32, %c0_i32_0 : i32, i32
  }
  func.func @transform_4(%arg0: i32) -> (i32, i32) {
    %c0_i32 = arith.constant 0 : i32
    %c0_i32_0 = arith.constant 0 : i32
    %c0_i32_1 = arith.constant 0 : i32
    return %c0_i32, %c0_i32_0 : i32, i32
  }
  func.func @transform_5(%arg0: i32) -> (i32, i32) {
    %c0_i32 = arith.constant 0 : i32
    %c0_i32_0 = arith.constant 0 : i32
    %c0_i32_1 = arith.constant 0 : i32
    return %c0_i32, %c0_i32_0 : i32, i32
  }
  func.func @transform_6(%arg0: i32) -> (i32, i32, i32) {
    %c0_i32 = arith.constant 0 : i32
    %c0_i32_0 = arith.constant 0 : i32
    %c0_i32_1 = arith.constant 0 : i32
    return %arg0, %c0_i32, %c0_i32_0 : i32, i32, i32
  }
}

</mosaic_0001>

<sc_bundles>
// kernel: kernel.6.cloned.1.call-start
scs
__scs_entry_jumppad:
0x0: {  	(pc) =	sbr.rel $0x88, $3  }
0x1: {  	(tag) =	ssettag $0x0;
	lr =	simm.s32 $0x1  }
0x2: {  	[smem:$0x3F9A] =	sst lr;
	_ =	strace $0xD0000000  }
0x3: {  	_ = 	snop  }
0x4: {  	_ = 	snop  }
0x5: {  	_ = 	snop  }
0x6: {  	_ = 	snop  }
0x7: {  	_ = 	snop  }
__scs_overlays_trampoline_lowered:
0x8: {  	[smem:$0x3FA9] =	sst s0  }
0x9: {  	[smem:$0x3FAA] =	sst s1  }
0xa: {  	[smem:$0x3FAB] =	sst s2  }
0xb: {  	[smem:$0x3FAC] =	sst s3  }
0xc: {  	[smem:$0x3FAD] =	sst s4  }
0xd: {  	[smem:$0x3FAE] =	sst s5  }
0xe: {  	[smem:$0x3FAF] =	sst s6  }
0xf: {  	[smem:$0x3FB0] =	sst s7  }
0x10: {  	[smem:$0x3FB1] =	sst s8  }
0x11: {  	[smem:$0x3FB2] =	sst s9;
	s0 =	simm.s32 @!p0 $0x0  }
0x12: {  	s1 =	sld [smem:$0x3F98];
	s0 =	simm.s32 @p0 $0x1  }
0x13: {  	[smem:$0x3FB3] =	sst s0;
	s0 =	simm.s32 @!p1 $0x0  }
0x14: {  	s2 =	sld [smem:$0x3F97];
	s0 =	simm.s32 @p1 $0x1  }
0x15: {  	[smem:$0x3FB4] =	sst s0;
	s0 =	simm.s32 @!p2 $0x0  }
0x16: {  	s3 =	sld [smem:$0x3FDB];
	s0 =	simm.s32 @p2 $0x1  }
0x17: {  	s4 =	simm.s32 $0x1BF5;
	[smem:$0x3FB6] =	sst s0  }
0x18: {  	s0 =	sld [smem:$0x3F99];
	_ =	swait.ge [sflag:s4], $0x0  }
0x19: {  	s7 =	sld [smem:$0x3F9A]  }
0x1a: {  	s8 =	sadd.s32 $0xFFFFE003, lr  }
0x1b: {  	s9 =	sadd.s32 $0xFFFFFEF7, lr;
	s5 =	simm.s32 $0xFFFFFFFF;
	p2 =	slt.u32 s8, $0xFFFFF086  }
0x1c: {  	p1 =	slt.u32 s9, $0xF7A;
	s5 =	simm.s32 @!p2 $0x0  }
0x1d: {  	s5 =	simm.s32 @p1 $0x1;
	p0 =	seq.s32 s7, s2  }
0x1e: {  	s7 =	smul.u32 @!p0 $0xF7A, s2;
	p2 =	seq.s32 @!p0 s5, $0x0  }
0x1f: {  	s9 =	smul.u32 $0xF7A, s1;
	s8 =	simm.s32 @!p0 $0x1BF5;
	p2 =	por !p2, p0  }
0x20: {  	[sflag:s8] =	ssyncset.s32 @!p0 $0xFFFFF086;
	s6 =	sadd.s32 @!p0 s3, s7;
	s7 =	simm.s32 @!p0 $0x108  }
0x21: {  	s3 =	sadd.s32 s3, s9;
	s6 =	sadd.s32 @!p0 $0x88, s6;
	s7 =	simm.s32 @p2 $0x1082  }
0x22: {  	[simem:s7], [sflag:s8] =	dma.local @!p0 [hbm:s6], $0xF7A  }
0x23: {  	s9 =	sor.u32 $0xD0000000, s2;
	s6 =	simm.s32 $0x108;
	_ =	swait.ge @!p0 [sflag:s8], $0x0  }
0x24: {  	s3 =	sadd.s32 $0x88, s3;
	s6 =	simm.s32 @!p1 $0x1082;
	[sflag:s4] =	ssyncset.s32 $0xFFFFF086  }
0x25: {  	[simem:s6], [sflag:s4] =	dma.local [hbm:s3], $0xF7A  }
0x26: {  	[smem:$0x3F9A] =	sst s1;
	(tag) =	ssettag s2;
	_ =	strace s9  }
0x27: {  	s1 =	sld [smem:$0x3FAA]  }
0x28: {  	s2 =	sld [smem:$0x3FAB]  }
0x29: {  	s4 =	sld [smem:$0x3FAD]  }
0x2a: {  	p0 =	seq.s32 s5, $0x0;
	s5 =	sld [smem:$0x3FAE]  }
0x2b: {  	s6 =	sld [smem:$0x3FAF]  }
0x2c: {  	s7 =	sld [smem:$0x3FB0]  }
0x2d: {  	s3 =	simm.s32 $0x108;
	s8 =	sld [smem:$0x3FB1]  }
0x2e: {  	s3 =	simm.s32 @!p0 $0x1082;
	s9 =	sld [smem:$0x3FB2]  }
0x2f: {  	lr =	sadd.s32 s0, s3;
	s0 =	sld [smem:$0x3FA9]  }
0x30: {  	s3 =	sld [smem:$0x3FAC]  }
0x31: {  	[smem:$0x3FB5] =	sst s10  }
0x32: {  	s10 =	sld [smem:$0x3FB3];
	_ =	sdelay $0x3  }
0x33: {  	p0 =	seq.s32 s10, $0x1;
	s10 =	sld [smem:$0x3FB5];
	_ =	sdelay $0x3  }
0x34: {  	[smem:$0x3FB5] =	sst s10  }
0x35: {  	s10 =	sld [smem:$0x3FB4];
	_ =	sdelay $0x3  }
0x36: {  	p1 =	seq.s32 s10, $0x1;
	s10 =	sld [smem:$0x3FB5];
	_ =	sdelay $0x3  }
0x37: {  	[smem:$0x3FB5] =	sst s10  }
0x38: {  	s10 =	sld [smem:$0x3FB6]  }
0x39: {  	_ = 	snop;
	(pc) =	sbr.ind lr, $3  }
0x3a: {  	_ = 	snop  }
0x3b: {  	_ = 	snop  }
0x3c: {  	p2 =	seq.s32 s10, $0x1;
	s10 =	sld [smem:$0x3FB5]  }
0x3d: {  	_ =	shalt  }
0x3e: {  	_ =	shalt  }
0x3f: {  	_ =	shalt  }
0x40: {  	_ =	shalt  }
0x41: {  	_ =	shalt  }
0x42: {  	_ =	shalt  }
0x43: {  	_ =	shalt  }
0x44: {  	_ =	shalt  }
0x45: {  	_ =	shalt  }
0x46: {  	_ =	shalt  }
0x47: {  	_ =	shalt  }
0x48: {  	_ =	shalt  }
0x49: {  	_ =	shalt  }
0x4a: {  	_ =	shalt  }
0x4b: {  	_ =	shalt  }
0x4c: {  	_ =	shalt  }
0x4d: {  	_ =	shalt  }
0x4e: {  	_ =	shalt  }
0x4f: {  	_ =	shalt  }
0x50: {  	_ =	shalt  }
0x51: {  	_ =	shalt  }
0x52: {  	_ =	shalt  }
0x53: {  	_ =	shalt  }
0x54: {  	_ =	shalt  }
0x55: {  	_ =	shalt  }
0x56: {  	_ =	shalt  }
0x57: {  	_ =	shalt  }
0x58: {  	_ =	shalt  }
0x59: {  	_ =	shalt  }
0x5a: {  	_ =	shalt  }
0x5b: {  	_ =	shalt  }
0x5c: {  	_ =	shalt  }
0x5d: {  	_ =	shalt  }
0x5e: {  	_ =	shalt  }
0x5f: {  	_ =	shalt  }
0x60: {  	_ =	shalt  }
0x61: {  	_ =	shalt  }
0x62: {  	_ =	shalt  }
0x63: {  	_ =	shalt  }
0x64: {  	_ =	shalt  }
0x65: {  	_ =	shalt  }
0x66: {  	_ =	shalt  }
0x67: {  	_ =	shalt  }
0x68: {  	_ =	shalt  }
0x69: {  	_ =	shalt  }
0x6a: {  	_ =	shalt  }
0x6b: {  	_ =	shalt  }
0x6c: {  	_ =	shalt  }
0x6d: {  	_ =	shalt  }
0x6e: {  	_ =	shalt  }
0x6f: {  	_ =	shalt  }
0x70: {  	_ =	shalt  }
0x71: {  	_ =	shalt  }
0x72: {  	_ =	shalt  }
0x73: {  	_ =	shalt  }
0x74: {  	_ =	shalt  }
0x75: {  	_ =	shalt  }
0x76: {  	_ =	shalt  }
0x77: {  	_ =	shalt  }
0x78: {  	_ =	shalt  }
0x79: {  	_ =	shalt  }
0x7a: {  	_ =	shalt  }
0x7b: {  	_ =	shalt  }
0x7c: {  	_ =	shalt  }
0x7d: {  	_ =	shalt  }
0x7e: {  	_ =	shalt  }
0x7f: {  	_ =	shalt  }
0x80: {  	_ =	shalt  }
0x81: {  	_ =	shalt  }
0x82: {  	_ =	shalt  }
0x83: {  	_ =	shalt  }
0x84: {  	_ =	shalt  }
0x85: {  	_ =	shalt  }
0x86: {  	_ =	shalt  }
0x87: {  	_ =	shalt  }
.Lfunc_end0:
.L_simem_size_0:
called_computation_lowered:
.L_overlay_start_0:
0x88: {  	s2 =	sld [smem:$0x3FD9]  }
0x89: {  	s3 =	sld [smem:$0x3FFE];
	_ =	sdelay $0x1  }
0x8a: {  	s1 =	srdreg.scid  }
0x8b: {  	s0 =	sand.u32 $0x1, s1  }
0x8c: {  	s16 =	sshll.u32 s0, $0xA;
	s2 =	sadd.s32 s3, s2  }
0x8d: {  	s2 =	sadd.s32 s2, s16  }
0x8e: {  	[smem:$0x3FC1] =	sst s2  }
0x8f: {  	_ = 	snop  }
0x90: {  	(tm) =	ssettm $0x1  }
0x91: {  	s17 =	sld [smem:$0x3FFB];
	_ =	sdelay $0x3  }
0x92: {  	_ =	strace s17  }
0x93: {  	s2 =	sld [smem:$0x3FFC];
	_ =	sdelay $0x3  }
0x94: {  	_ =	strace s2  }
0x95: {  	s2 =	sld [smem:$0x3FFD];
	_ =	sdelay $0x3  }
0x96: {  	_ =	strace s2  }
0x97: {  	_ =	strace $0x8FFFFFFF  }
0x98: {  	s18 =	sld [smem:$0x3FDB];
	_ =	sdelay $0x1  }
0x99: {  	s19 =	simm.s32 $_scs_section_size  }
0x9a: {  	s4 =	simm.s32 $_size__tile_overlayer_lowered;
	s5 =	simm.s32 $_tile_overlayer_lowered  }
0x9b: {  	s22 =	simm.s32 $0x1BFF;
	s21 =	sshll.u32 s5, $0x1;
	s2 =	sadd.s32 s19, s18  }
0x9c: {  	s6 =	simm.s32 $0x0;
	s20 =	sshll.u32 s4, $0x1;
	s4 =	sadd.s32 s21, s2  }
0x9d: {  	[timem:s6], [sflag:s22] =	dma.local [hbm:s4], s20  }
0x9e: {  	_ =	swait.ge [sflag:s22], s20  }
0x9f: {  	s3 =	ssub.s32 $0x0, s20;
	[sflag:s22] =	ssyncset.done $0x0  }
0xa0: {  	[sflag:s22] =	ssyncadd.s32 s3;
	_ =	sdelay $0x1  }
0xa1: {  	s23 =	simm.s32 $0x1B8B  }
0xa2: {  	_ =	swait.ge [sflag:s23], $0x1  }
0xa3: {  	[sflag:s23] =	ssyncset.done $0x0  }
0xa4: {  	s25 =	simm.s32 $0x1B8E;
	s24 =	sld [smem:$0x3FFE];
	[sflag:s23] =	ssyncadd.s32 $0xFFFFFFFF  }
0xa5: {  	s26 =	simm.s32 $execute0_lowered;
	[smem:$0x3FD2] =	sst s25  }
0xa6: {  	s4 =	sshll.u32 s26, $0x1;
	_ =	strace $0x80000046;
	[dreg:$0x1] =	wrdreg $0xFFFFFFFF  }
0xa7: {  	s28 =	simm.s32 $_size_execute0_lowered;
	s2 =	sadd.s32 s2, s4;
	[dreg:$0x0] =	wrdreg $0x0  }
0xa8: {  	s4 =	sshll.u32 s28, $0x1;
	[dreg:$0x2] =	wrdreg s2  }
0xa9: {  	[dreg:$0x3] =	wrdreg s4  }
0xaa: {  	[dreg:$0x4] =	wrdreg $0xC0  }
0xab: {  	_ =	task [dreg:s6], $0x5FFFF  }
0xac: {  	[dreg:$0x1] =	wrdreg $0xFFFFFFFF  }
0xad: {  	[dreg:$0x0] =	wrdreg $0x60  }
0xae: {  	[dreg:$0x2] =	wrdreg s24  }
0xaf: {  	[dreg:$0x3] =	wrdreg $0x2A800  }
0xb0: {  	[dreg:$0x4] =	wrdreg $0x9  }
0xb1: {  	_ =	task.clear_ibuf [dreg:s6], $0x5FFFF;
	_ =	strace $0x90000046  }
0xb2: {  	s29 =	simm.s32 $0x9;
	_ =	strace $0x80000048  }
0xb3: {  	_ =	swait.ge [sflag:s29], $0x1  }
0xb4: {  	[sflag:s29] =	ssyncadd.s32 $0xFFFFFFFF  }
0xb5: {  	_ =	strace $0x90000048  }
0xb6: {  	_ =	sfence  }
0xb7: {  	s30 =	sld [smem:$0x0];
	_ =	sdelay $0x2  }
0xb8: {  	s31 =	sshll.u32 s1, $0xD;
	s1 =	sshrl.u32 s1, $0x2  }
0xb9: {  	s3 =	sand.u32 $0x4000, s31;
	s1 =	sadd.s32 s1, s30  }
0xba: {  	s0 =	sor.u32 s3, s0;
	s1 =	sshll.u32 s1, $0x11  }
0xbb: {  	s0 =	sor.u32 s1, s0  }
0xbc: {  	s0 =	sadd.s32 $0x8F2B, s0  }
0xbd: {  	[sflag:s0] =	ssyncadd.remote.s32 $0x1  }
0xbe: {  	_ =	sfence.sel $0xFFFF  }
0xbf: {  	[dreg:$0x0] =	wrdreg $0xFFFFFFFF;
	(pc) =	sbr.abs _section_cstart, $3  }
0xc0: {  	[dreg:$0x1] =	wrdreg $0xFFFFFFFF  }
0xc1: {  	_ =	task.clear_ibuf [dreg:s6], $0x2FFFF;
	_ =	strace $0x9FFFFFFF  }
0xc2: {  	(tm) =	ssettm $0x7FFFFFFF  }
0xc3: {  	_ =	shalt  }
tec
execute0_lowered:
.L_overlay_start_1:
0x0: {  	(tag) =	ssettag $0x1  }
0x1: {  	s5 =	rddreg [dreg:$0x0]  }
0x2: {  	s1 =	rddreg [dreg:$0x1];
	s2 =	simm.s32 $0x0  }
0x3: {  	s20 =	simm.s32 $0x2800;
	[smem:$0x7FF] =	sst s2  }
0x4: {  	s21 =	simm.s32 $0x1480;
	_ =	strace $0x80000047;
	[dreg:$0x7] =	wrdreg s20  }
0x5: {  	s22 =	simm.s32 $0x1500;
	[dreg:$0x8] =	wrdreg s21  }
0x6: {  	s23 =	simm.s32 $0x100;
	[dreg:$0x9] =	wrdreg s22  }
0x7: {  	s24 =	simm.s32 $0x1580;
	[dreg:$0xa] =	wrdreg s23  }
0x8: {  	s25 =	simm.s32 $0x180;
	[dreg:$0xb] =	wrdreg s24  }
0x9: {  	s26 =	simm.s32 $0x1600;
	[dreg:$0xc] =	wrdreg s25  }
0xa: {  	s29 =	simm.s32 $0x200;
	[dreg:$0xd] =	wrdreg s26  }
0xb: {  	s30 =	simm.s32 $0x1680;
	[dreg:$0xe] =	wrdreg s29  }
0xc: {  	s31 =	simm.s32 $0x280;
	[dreg:$0xf] =	wrdreg s30  }
0xd: {  	s10 =	simm.s32 $0x400;
	[dreg:$0x10] =	wrdreg s31  }
0xe: {  	s11 =	simm.s32 $0x1880;
	[dreg:$0x16] =	wrdreg s10  }
0xf: {  	s12 =	simm.s32 $0x480;
	[dreg:$0x17] =	wrdreg s11  }
0x10: {  	s13 =	simm.s32 $0x1900;
	[dreg:$0x18] =	wrdreg s12  }
0x11: {  	s0 =	srdreg.scid;
	s14 =	simm.s32 $0x500;
	[dreg:$0x19] =	wrdreg s13  }
0x12: {  	s4 =	stileid.u32;
	s15 =	simm.s32 $0x1980;
	[dreg:$0x1a] =	wrdreg s14  }
0x13: {  	s16 =	simm.s32 $0x580;
	s17 =	simm.s32 $0x1A00;
	[dreg:$0x1b] =	wrdreg s15  }
0x14: {  	s3 =	sand.u32 $0x1, s0;
	s18 =	sshll.u32 s4, $0x1;
	[dreg:$0x1c] =	wrdreg s16  }
0x15: {  	s0 =	sor.u32 s3, s18;
	[dreg:$0x1d] =	wrdreg s17;
	s18 =	simm.s32 $0x600  }
0x16: {  	s20 =	simm.s32 $0x680;
	[dreg:$0x1e] =	wrdreg s18  }
0x17: {  	s21 =	simm.s32 $0x1B00;
	[smem:$0x7DC] =	sst s20  }
0x18: {  	s22 =	simm.s32 $0x700;
	[smem:$0x7DD] =	sst s21  }
0x19: {  	s23 =	simm.s32 $0x1B80;
	[smem:$0x7DE] =	sst s22  }
0x1a: {  	s24 =	simm.s32 $0x780;
	[smem:$0x7DF] =	sst s23  }
0x1b: {  	s25 =	simm.s32 $0x1C00;
	[smem:$0x7E0] =	sst s24  }
0x1c: {  	s26 =	simm.s32 $0x800;
	[smem:$0x7E1] =	sst s25  }
0x1d: {  	s29 =	simm.s32 $0x1C80;
	[smem:$0x7E2] =	sst s26  }
0x1e: {  	s30 =	simm.s32 $0x880;
	[smem:$0x7E3] =	sst s29  }
0x1f: {  	s31 =	simm.s32 $0x1D00;
	[smem:$0x7E4] =	sst s30  }
0x20: {  	s10 =	simm.s32 $0x1E80;
	[smem:$0x7E5] =	sst s31  }
0x21: {  	s28 =	simm.s32 $0x1380;
	s11 =	simm.s32 $0xA80;
	[smem:$0x7EB] =	sst s10  }
0x22: {  	s7 =	smul.u32 $0xA00, s4;
	s12 =	simm.s32 $0x1F00;
	[smem:$0x7EC] =	sst s11  }
0x23: {  	p0 =	sne.s32 s4, $0x0;
	s13 =	simm.s32 $0xB00;
	[smem:$0x7ED] =	sst s12  }
0x24: {  	s4 =	simm.s32 $0x1400;
	s14 =	simm.s32 $0x1F80;
	[smem:$0x7EE] =	sst s13  }
0x25: {  	s8 =	smul.u32 $0x500, s3;
	s15 =	simm.s32 $0xB80;
	[smem:$0x7EF] =	sst s14  }
0x26: {  	s16 =	simm.s32 $0x2000;
	s17 =	simm.s32 $0xC00;
	[smem:$0x7F0] =	sst s15  }
0x27: {  	s3 =	ssub.s32 $0x2, s3;
	s6 =	smul.u32 $0x280, s0;
	[smem:$0x7F1] =	sst s16  }
0x28: {  	s7 =	sshrl.u32 s7, $0x2;
	s0 =	simm.s32 $0x1700;
	[smem:$0x7F2] =	sst s17  }
0x29: {  	s18 =	simm.s32 $0x2080;
	s20 =	simm.s32 $0x2100;
	[dreg:$0x11] =	wrdreg s0  }
0x2a: {  	s21 =	sshrl.u32 s3, $0x1;
	s22 =	simm.s32 $0xD00;
	[smem:$0x7F3] =	sst s18  }
0x2b: {  	s23 =	simm.s32 $0x2180;
	s24 =	simm.s32 $0xD80;
	[smem:$0x7F5] =	sst s20  }
0x2c: {  	s25 =	simm.s32 $0x2200;
	s26 =	simm.s32 $0xE00;
	[smem:$0x7F6] =	sst s22  }
0x2d: {  	s29 =	simm.s32 $0x2280;
	s30 =	simm.s32 $0xE80;
	[smem:$0x7F7] =	sst s23  }
0x2e: {  	s31 =	simm.s32 $0x2300;
	s10 =	simm.s32 $0x2380;
	[smem:$0x7F8] =	sst s24  }
0x2f: {  	s11 =	simm.s32 $0xF80;
	s12 =	simm.s32 $0x2400;
	[smem:$0x7F9] =	sst s25  }
0x30: {  	s13 =	simm.s32 $0x1000;
	s14 =	simm.s32 $0x2480;
	[smem:$0x7FA] =	sst s26  }
0x31: {  	s15 =	simm.s32 $0x1080;
	s16 =	simm.s32 $0x2500;
	[smem:$0x7FB] =	sst s29  }
0x32: {  	s17 =	simm.s32 $0x1100;
	s19 =	sadd.s32 s7, s1;
	[smem:$0x7FC] =	sst s30  }
0x33: {  	s7 =	simm.s32 $0x1780;
	s0 =	simm.s32 $0x900;
	[smem:$0x7FD] =	sst s31  }
0x34: {  	s3 =	ssub.s32 s3, s21;
	s18 =	simm.s32 $0x2580;
	[dreg:$0x5] =	wrdreg s19  }
0x35: {  	s20 =	simm.s32 $0x2600;
	s6 =	sadd.s32 s6, s5;
	[dreg:$0x13] =	wrdreg s7  }
0x36: {  	s5 =	sadd.s32 s8, s5;
	s8 =	simm.s32 $0x380;
	[smem:$0x7E6] =	sst s0  }
0x37: {  	s21 =	simm.s32 $0x1200;
	s19 =	simm.s32 $0x1A80;
	[dreg:$0x14] =	wrdreg s8  }
0x38: {  	s22 =	simm.s32 $0x2680;
	s7 =	simm.s32 $0x980;
	[dreg:$0x1f] =	wrdreg s19  }
0x39: {  	s23 =	simm.s32 $0x1280;
	s9 =	sadd.s32 $0x1600, s6;
	[smem:$0x7E8] =	sst s7  }
0x3a: {  	s24 =	simm.s32 $0x2700;
	s6 =	sadd.s32 $0x6600, s6;
	[dreg:$0x3] =	wrdreg s9  }
0x3b: {  	s25 =	simm.s32 $0x1300;
	s5 =	sadd.s32 $0xB600, s5;
	[dreg:$0x4] =	wrdreg s6  }
0x3c: {  	s26 =	simm.s32 $0x2780;
	s8 =	simm.s32 $0x1E00;
	[dreg:$0x6] =	wrdreg s5  }
0x3d: {  	s3 =	smax.u32 s3, $0x1;
	s19 =	simm.s32 $0xC80;
	[smem:$0x7E9] =	sst s8  }
0x3e: {  	s7 =	simm.s32 $0x80;
	s6 =	simm.s32 $0x300;
	[smem:$0x7F4] =	sst s19  }
0x3f: {  	s9 =	simm.s32 $0x1800;
	s5 =	simm.s32 $0x3;
	[dreg:$0x12] =	wrdreg s6  }
0x40: {  	s8 =	simm.s32 $0x1;
	[dreg:$0x15] =	wrdreg s9;
	s6 =	simm.s32 $0x1D80  }
0x41: {  	s19 =	simm.s32 $0x1180;
	s9 =	simm.s32 $0xA00;
	[smem:$0x7E7] =	sst s6  }
0x42: {  	v0 =	vimm.f32 $0.0e+00;
	[smem:$0x7EA] =	sst s9;
	s6 =	simm.s32 $0x2;
	s9 =	simm.s32 $0xF00  }
.LBB2_1:
0x43: {  	s29 =	rddreg [dreg:$0x3]  }
0x44: {  	[tilespmem:s2], [sflag:$0x2] =	stream.linear.gather [hbm4b:s29+s2], $0x1400, $0x38;
	[tilespmem:$0x2D00] =	vst v63  }
0x45: {  	s30 =	rddreg [dreg:$0x4]  }
0x46: {  	[tilespmem:s4], [sflag:$0x2] =	stream.linear.gather [hbm4b:s30+s2], $0x1400, $0x38;
	[tilespmem:$0x2D00] =	vst v63  }
0x47: {  	[tilespmem:$0x2800] =	vst v0  }
0x48: {  	[tilespmem:$0x2810] =	vst v0  }
0x49: {  	[tilespmem:$0x2820] =	vst v0  }
0x4a: {  	[tilespmem:$0x2830] =	vst v0  }
0x4b: {  	[tilespmem:$0x2840] =	vst v0  }
0x4c: {  	[tilespmem:$0x2850] =	vst v0  }
0x4d: {  	[tilespmem:$0x2860] =	vst v0  }
0x4e: {  	[tilespmem:$0x2870] =	vst v0  }
0x4f: {  	[tilespmem:$0x2880] =	vst v0  }
0x50: {  	[tilespmem:$0x2890] =	vst v0  }
0x51: {  	[tilespmem:$0x28A0] =	vst v0  }
0x52: {  	[tilespmem:$0x28B0] =	vst v0  }
0x53: {  	[tilespmem:$0x28C0] =	vst v0  }
0x54: {  	[tilespmem:$0x28D0] =	vst v0  }
0x55: {  	[tilespmem:$0x28E0] =	vst v0  }
0x56: {  	[tilespmem:$0x28F0] =	vst v0  }
0x57: {  	[tilespmem:$0x2900] =	vst v0  }
0x58: {  	[tilespmem:$0x2910] =	vst v0  }
0x59: {  	[tilespmem:$0x2920] =	vst v0  }
0x5a: {  	[tilespmem:$0x2930] =	vst v0  }
0x5b: {  	[tilespmem:$0x2940] =	vst v0  }
0x5c: {  	[tilespmem:$0x2950] =	vst v0  }
0x5d: {  	[tilespmem:$0x2960] =	vst v0  }
0x5e: {  	[tilespmem:$0x2970] =	vst v0  }
0x5f: {  	[tilespmem:$0x2980] =	vst v0  }
0x60: {  	[tilespmem:$0x2990] =	vst v0  }
0x61: {  	[tilespmem:$0x29A0] =	vst v0  }
0x62: {  	[tilespmem:$0x29B0] =	vst v0  }
0x63: {  	[tilespmem:$0x29C0] =	vst v0  }
0x64: {  	[tilespmem:$0x29D0] =	vst v0  }
0x65: {  	[tilespmem:$0x29E0] =	vst v0  }
0x66: {  	[tilespmem:$0x29F0] =	vst v0  }
0x67: {  	[tilespmem:$0x2A00] =	vst v0  }
0x68: {  	[tilespmem:$0x2A10] =	vst v0  }
0x69: {  	[tilespmem:$0x2A20] =	vst v0  }
0x6a: {  	[tilespmem:$0x2A30] =	vst v0  }
0x6b: {  	[tilespmem:$0x2A40] =	vst v0  }
0x6c: {  	[tilespmem:$0x2A50] =	vst v0  }
0x6d: {  	s0 =	rddreg [dreg:$0x5];
	[tilespmem:$0x2A60] =	vst v0  }
0x6e: {  	s31 =	rddreg [dreg:$0x7];
	[tilespmem:$0x2A70] =	vst v0  }
0x6f: {  	[spmem:s0] =	stream.linear.scatter [tilespmem:s31], [sflag:$0x3], $0x280, $0x38;
	[tilespmem:$0x2D00] =	vst v63  }
0x70: {  	_ =	swait.ge [sflag:s5], $0x280  }
0x71: {  	[sflag:s5] =	ssyncset.done $0x0  }
0x72: {  	[sflag:s5] =	ssyncadd.s32 $0xFFFFFD80  }
0x73: {  	_ =	swait.ge [sflag:s6], $0x1400  }
0x74: {  	[sflag:s6] =	ssyncset.done $0x0  }
0x75: {  	[sflag:s6] =	ssyncadd.s32 $0xFFFFEC00  }
0x76: {  	_ =	swait.ge [sflag:s6], $0x1400  }
0x77: {  	[sflag:s6] =	ssyncset.done $0x0  }
0x78: {  	[sflag:s6] =	ssyncadd.s32 $0xFFFFEC00  }
0x79: {  	[bflag:$0x0] =	sbarrier.arrive $0xFFFF  }
0x7a: {  	s0 =	rddreg [dreg:$0x8]  }
0x7b: {  	[spmem:s1] =	stream.indirect.scatter.add.f32 [tilespmem:s2], [sflag:$0x1], $0x1, s4, s7, $0xb8;
	[tilespmem:$0x2D00] =	vst v63  }
0x7c: {  	s29 =	rddreg [dreg:$0x9]  }
0x7d: {  	s30 =	rddreg [dreg:$0xa]  }
0x7e: {  	s31 =	rddreg [dreg:$0xb]  }
0x7f: {  	[spmem:s1] =	stream.indirect.scatter.add.f32 [tilespmem:s7], [sflag:$0x1], $0x1, s0, s7, $0xb8;
	[tilespmem:$0x2D00] =	vst v63  }
0x80: {  	s0 =	rddreg [dreg:$0xc]  }
0x81: {  	[spmem:s1] =	stream.indirect.scatter.add.f32 [tilespmem:s30], [sflag:$0x1], $0x1, s29, s7, $0xb8;
	[tilespmem:$0x2D00] =	vst v63  }
0x82: {  	s29 =	rddreg [dreg:$0xe]  }
0x83: {  	s30 =	rddreg [dreg:$0xf]  }
0x84: {  	[spmem:s1] =	stream.indirect.scatter.add.f32 [tilespmem:s0], [sflag:$0x1], $0x1, s31, s7, $0xb8;
	[tilespmem:$0x2D00] =	vst v63  }
0x85: {  	s0 =	rddreg [dreg:$0xd]  }
0x86: {  	s31 =	rddreg [dreg:$0x10]  }
0x87: {  	[spmem:s1] =	stream.indirect.scatter.add.f32 [tilespmem:s29], [sflag:$0x1], $0x1, s0, s7, $0xb8;
	[tilespmem:$0x2D00] =	vst v63  }
0x88: {  	s0 =	rddreg [dreg:$0x11]  }
0x89: {  	s29 =	rddreg [dreg:$0x12]  }
0x8a: {  	[spmem:s1] =	stream.indirect.scatter.add.f32 [tilespmem:s31], [sflag:$0x1], $0x1, s30, s7, $0xb8;
	[tilespmem:$0x2D00] =	vst v63  }
0x8b: {  	s30 =	rddreg [dreg:$0x13]  }
0x8c: {  	[spmem:s1] =	stream.indirect.scatter.add.f32 [tilespmem:s29], [sflag:$0x1], $0x1, s0, s7, $0xb8;
	[tilespmem:$0x2D00] =	vst v63  }
0x8d: {  	s31 =	rddreg [dreg:$0x14]  }
0x8e: {  	[spmem:s1] =	stream.indirect.scatter.add.f32 [tilespmem:s31], [sflag:$0x1], $0x1, s30, s7, $0xb8;
	[tilespmem:$0x2D00] =	vst v63  }
0x8f: {  	_ =	swait.ge [sflag:s8], $0x80  }
0x90: {  	[sflag:s8] =	ssyncset.done $0x0  }
0x91: {  	[sflag:s8] =	ssyncadd.s32 $0xFFFFFF80  }
0x92: {  	_ =	swait.ge [sflag:s8], $0x80  }
0x93: {  	[sflag:s8] =	ssyncset.done $0x0  }
0x94: {  	[sflag:s8] =	ssyncadd.s32 $0xFFFFFF80  }
0x95: {  	_ =	swait.ge [sflag:s8], $0x80  }
0x96: {  	[sflag:s8] =	ssyncset.done $0x0  }
0x97: {  	[sflag:s8] =	ssyncadd.s32 $0xFFFFFF80  }
0x98: {  	_ =	swait.ge [sflag:s8], $0x80  }
0x99: {  	[sflag:s8] =	ssyncset.done $0x0  }
0x9a: {  	[sflag:s8] =	ssyncadd.s32 $0xFFFFFF80  }
0x9b: {  	_ =	swait.ge [sflag:s8], $0x80  }
0x9c: {  	[sflag:s8] =	ssyncset.done $0x0  }
0x9d: {  	[sflag:s8] =	ssyncadd.s32 $0xFFFFFF80  }
0x9e: {  	_ =	swait.ge [sflag:s8], $0x80  }
0x9f: {  	[sflag:s8] =	ssyncset.done $0x0  }
0xa0: {  	[sflag:s8] =	ssyncadd.s32 $0xFFFFFF80  }
0xa1: {  	_ =	swait.ge [sflag:s8], $0x80  }
0xa2: {  	[sflag:s8] =	ssyncset.done $0x0  }
0xa3: {  	[sflag:s8] =	ssyncadd.s32 $0xFFFFFF80  }
0xa4: {  	_ =	swait.ge [sflag:s8], $0x80  }
0xa5: {  	s0 =	rddreg [dreg:$0x15]  }
0xa6: {  	s29 =	rddreg [dreg:$0x16]  }
0xa7: {  	[sflag:s8] =	ssyncset.done $0x0;
	s30 =	rddreg [dreg:$0x17]  }
0xa8: {  	s31 =	rddreg [dreg:$0x18];
	[sflag:s8] =	ssyncadd.s32 $0xFFFFFF80  }
0xa9: {  	[spmem:s1] =	stream.indirect.scatter.add.f32 [tilespmem:s29], [sflag:$0x1], $0x1, s0, s7, $0xb8;
	[tilespmem:$0x2D00] =	vst v63  }
0xaa: {  	s0 =	rddreg [dreg:$0x19]  }
0xab: {  	s29 =	rddreg [dreg:$0x1a]  }
0xac: {  	[spmem:s1] =	stream.indirect.scatter.add.f32 [tilespmem:s31], [sflag:$0x1], $0x1, s30, s7, $0xb8;
	[tilespmem:$0x2D00] =	vst v63  }
0xad: {  	s30 =	rddreg [dreg:$0x1b]  }
0xae: {  	s31 =	rddreg [dreg:$0x1c]  }
0xaf: {  	[spmem:s1] =	stream.indirect.scatter.add.f32 [tilespmem:s29], [sflag:$0x1], $0x1, s0, s7, $0xb8;
	[tilespmem:$0x2D00] =	vst v63  }
0xb0: {  	s0 =	rddreg [dreg:$0x1d]  }
0xb1: {  	s29 =	rddreg [dreg:$0x1e]  }
0xb2: {  	[spmem:s1] =	stream.indirect.scatter.add.f32 [tilespmem:s31], [sflag:$0x1], $0x1, s30, s7, $0xb8;
	[tilespmem:$0x2D00] =	vst v63  }
0xb3: {  	s30 =	rddreg [dreg:$0x1f]  }
0xb4: {  	s31 =	sld [smem:$0x7DC]  }
0xb5: {  	[spmem:s1] =	stream.indirect.scatter.add.f32 [tilespmem:s29], [sflag:$0x1], $0x1, s0, s7, $0xb8;
	[tilespmem:$0x2D00] =	vst v63  }
0xb6: {  	s0 =	sld [smem:$0x7DD]  }
0xb7: {  	s29 =	sld [smem:$0x7DE]  }
0xb8: {  	[spmem:s1] =	stream.indirect.scatter.add.f32 [tilespmem:s31], [sflag:$0x1], $0x1, s30, s7, $0xb8;
	[tilespmem:$0x2D00] =	vst v63  }
0xb9: {  	s30 =	sld [smem:$0x7DF]  }
0xba: {  	s31 =	sld [smem:$0x7E0]  }
0xbb: {  	[spmem:s1] =	stream.indirect.scatter.add.f32 [tilespmem:s29], [sflag:$0x1], $0x1, s0, s7, $0xb8;
	[tilespmem:$0x2D00] =	vst v63  }
0xbc: {  	_ = 	snop  }
0xbd: {  	[spmem:s1] =	stream.indirect.scatter.add.f32 [tilespmem:s31], [sflag:$0x1], $0x1, s30, s7, $0xb8;
	[tilespmem:$0x2D00] =	vst v63  }
0xbe: {  	_ =	swait.ge [sflag:s8], $0x80  }
0xbf: {  	[sflag:s8] =	ssyncset.done $0x0  }
0xc0: {  	[sflag:s8] =	ssyncadd.s32 $0xFFFFFF80  }
0xc1: {  	_ =	swait.ge [sflag:s8], $0x80  }
0xc2: {  	[sflag:s8] =	ssyncset.done $0x0  }
0xc3: {  	[sflag:s8] =	ssyncadd.s32 $0xFFFFFF80  }
0xc4: {  	_ =	swait.ge [sflag:s8], $0x80  }
0xc5: {  	[sflag:s8] =	ssyncset.done $0x0  }
0xc6: {  	[sflag:s8] =	ssyncadd.s32 $0xFFFFFF80  }
0xc7: {  	_ =	swait.ge [sflag:s8], $0x80  }
0xc8: {  	[sflag:s8] =	ssyncset.done $0x0  }
0xc9: {  	[sflag:s8] =	ssyncadd.s32 $0xFFFFFF80  }
0xca: {  	_ =	swait.ge [sflag:s8], $0x80  }
0xcb: {  	[sflag:s8] =	ssyncset.done $0x0  }
0xcc: {  	[sflag:s8] =	ssyncadd.s32 $0xFFFFFF80  }
0xcd: {  	_ =	swait.ge [sflag:s8], $0x80  }
0xce: {  	[sflag:s8] =	ssyncset.done $0x0  }
0xcf: {  	[sflag:s8] =	ssyncadd.s32 $0xFFFFFF80  }
0xd0: {  	_ =	swait.ge [sflag:s8], $0x80  }
0xd1: {  	[sflag:s8] =	ssyncset.done $0x0  }
0xd2: {  	[sflag:s8] =	ssyncadd.s32 $0xFFFFFF80  }
0xd3: {  	_ =	swait.ge [sflag:s8], $0x80  }
0xd4: {  	s0 =	sld [smem:$0x7E1]  }
0xd5: {  	s29 =	sld [smem:$0x7E2]  }
0xd6: {  	[sflag:s8] =	ssyncset.done $0x0;
	s30 =	sld [smem:$0x7E3]  }
0xd7: {  	s31 =	sld [smem:$0x7E4];
	[sflag:s8] =	ssyncadd.s32 $0xFFFFFF80  }
0xd8: {  	[spmem:s1] =	stream.indirect.scatter.add.f32 [tilespmem:s29], [sflag:$0x1], $0x1, s0, s7, $0xb8;
	[tilespmem:$0x2D00] =	vst v63  }
0xd9: {  	s0 =	sld [smem:$0x7E5]  }
0xda: {  	s29 =	sld [smem:$0x7E6]  }
0xdb: {  	[spmem:s1] =	stream.indirect.scatter.add.f32 [tilespmem:s31], [sflag:$0x1], $0x1, s30, s7, $0xb8;
	[tilespmem:$0x2D00] =	vst v63  }
0xdc: {  	s30 =	sld [smem:$0x7E7]  }
0xdd: {  	s31 =	sld [smem:$0x7E8]  }
0xde: {  	[spmem:s1] =	stream.indirect.scatter.add.f32 [tilespmem:s29], [sflag:$0x1], $0x1, s0, s7, $0xb8;
	[tilespmem:$0x2D00] =	vst v63  }
0xdf: {  	s0 =	sld [smem:$0x7E9]  }
0xe0: {  	s29 =	sld [smem:$0x7EA]  }
0xe1: {  	[spmem:s1] =	stream.indirect.scatter.add.f32 [tilespmem:s31], [sflag:$0x1], $0x1, s30, s7, $0xb8;
	[tilespmem:$0x2D00] =	vst v63  }
0xe2: {  	s30 =	sld [smem:$0x7EB]  }
0xe3: {  	s31 =	sld [smem:$0x7EC]  }
0xe4: {  	[spmem:s1] =	stream.indirect.scatter.add.f32 [tilespmem:s29], [sflag:$0x1], $0x1, s0, s7, $0xb8;
	[tilespmem:$0x2D00] =	vst v63  }
0xe5: {  	s0 =	sld [smem:$0x7ED]  }
0xe6: {  	s29 =	sld [smem:$0x7EE]  }
0xe7: {  	[spmem:s1] =	stream.indirect.scatter.add.f32 [tilespmem:s31], [sflag:$0x1], $0x1, s30, s7, $0xb8;
	[tilespmem:$0x2D00] =	vst v63  }
0xe8: {  	s30 =	sld [smem:$0x7EF]  }
0xe9: {  	s31 =	sld [smem:$0x7F0]  }
0xea: {  	[spmem:s1] =	stream.indirect.scatter.add.f32 [tilespmem:s29], [sflag:$0x1], $0x1, s0, s7, $0xb8;
	[tilespmem:$0x2D00] =	vst v63  }
0xeb: {  	_ = 	snop  }
0xec: {  	[spmem:s1] =	stream.indirect.scatter.add.f32 [tilespmem:s31], [sflag:$0x1], $0x1, s30, s7, $0xb8;
	[tilespmem:$0x2D00] =	vst v63  }
0xed: {  	_ =	swait.ge [sflag:s8], $0x80  }
0xee: {  	[sflag:s8] =	ssyncset.done $0x0  }
0xef: {  	[sflag:s8] =	ssyncadd.s32 $0xFFFFFF80  }
0xf0: {  	_ =	swait.ge [sflag:s8], $0x80  }
0xf1: {  	[sflag:s8] =	ssyncset.done $0x0  }
0xf2: {  	[sflag:s8] =	ssyncadd.s32 $0xFFFFFF80  }
0xf3: {  	_ =	swait.ge [sflag:s8], $0x80  }
0xf4: {  	[sflag:s8] =	ssyncset.done $0x0  }
0xf5: {  	[sflag:s8] =	ssyncadd.s32 $0xFFFFFF80  }
0xf6: {  	_ =	swait.ge [sflag:s8], $0x80  }
0xf7: {  	[sflag:s8] =	ssyncset.done $0x0  }
0xf8: {  	[sflag:s8] =	ssyncadd.s32 $0xFFFFFF80  }
0xf9: {  	_ =	swait.ge [sflag:s8], $0x80  }
0xfa: {  	[sflag:s8] =	ssyncset.done $0x0  }
0xfb: {  	[sflag:s8] =	ssyncadd.s32 $0xFFFFFF80  }
0xfc: {  	_ =	swait.ge [sflag:s8], $0x80  }
0xfd: {  	[sflag:s8] =	ssyncset.done $0x0  }
0xfe: {  	[sflag:s8] =	ssyncadd.s32 $0xFFFFFF80  }
0xff: {  	_ =	swait.ge [sflag:s8], $0x80  }
0x100: {  	[sflag:s8] =	ssyncset.done $0x0  }
0x101: {  	[sflag:s8] =	ssyncadd.s32 $0xFFFFFF80  }
0x102: {  	_ =	swait.ge [sflag:s8], $0x80  }
0x103: {  	s0 =	sld [smem:$0x7F1]  }
0x104: {  	s29 =	sld [smem:$0x7F2]  }
0x105: {  	[sflag:s8] =	ssyncset.done $0x0;
	s30 =	sld [smem:$0x7F3]  }
0x106: {  	s31 =	sld [smem:$0x7F4];
	[sflag:s8] =	ssyncadd.s32 $0xFFFFFF80  }
0x107: {  	[spmem:s1] =	stream.indirect.scatter.add.f32 [tilespmem:s29], [sflag:$0x1], $0x1, s0, s7, $0xb8;
	[tilespmem:$0x2D00] =	vst v63  }
0x108: {  	s0 =	sld [smem:$0x7F5]  }
0x109: {  	s29 =	sld [smem:$0x7F6]  }
0x10a: {  	[spmem:s1] =	stream.indirect.scatter.add.f32 [tilespmem:s31], [sflag:$0x1], $0x1, s30, s7, $0xb8;
	[tilespmem:$0x2D00] =	vst v63  }
0x10b: {  	s30 =	sld [smem:$0x7F7]  }
0x10c: {  	s31 =	sld [smem:$0x7F8]  }
0x10d: {  	[spmem:s1] =	stream.indirect.scatter.add.f32 [tilespmem:s29], [sflag:$0x1], $0x1, s0, s7, $0xb8;
	[tilespmem:$0x2D00] =	vst v63  }
0x10e: {  	s0 =	sld [smem:$0x7F9]  }
0x10f: {  	s29 =	sld [smem:$0x7FA]  }
0x110: {  	[spmem:s1] =	stream.indirect.scatter.add.f32 [tilespmem:s31], [sflag:$0x1], $0x1, s30, s7, $0xb8;
	[tilespmem:$0x2D00] =	vst v63  }
0x111: {  	s30 =	sld [smem:$0x7FB]  }
0x112: {  	s31 =	sld [smem:$0x7FC]  }
0x113: {  	[spmem:s1] =	stream.indirect.scatter.add.f32 [tilespmem:s29], [sflag:$0x1], $0x1, s0, s7, $0xb8;
	[tilespmem:$0x2D00] =	vst v63  }
0x114: {  	s29 =	sld [smem:$0x7FD]  }
0x115: {  	[spmem:s1] =	stream.indirect.scatter.add.f32 [tilespmem:s31], [sflag:$0x1], $0x1, s30, s7, $0xb8;
	[tilespmem:$0x2D00] =	vst v63  }
0x116: {  	_ = 	snop  }
0x117: {  	[spmem:s1] =	stream.indirect.scatter.add.f32 [tilespmem:s9], [sflag:$0x1], $0x1, s29, s7, $0xb8;
	[tilespmem:$0x2D00] =	vst v63  }
0x118: {  	_ = 	snop  }
0x119: {  	[spmem:s1] =	stream.indirect.scatter.add.f32 [tilespmem:s11], [sflag:$0x1], $0x1, s10, s7, $0xb8;
	[tilespmem:$0x2D00] =	vst v63  }
0x11a: {  	_ =	swait.ge [sflag:s8], $0x80  }
0x11b: {  	[sflag:s8] =	ssyncset.done $0x0  }
0x11c: {  	[sflag:s8] =	ssyncadd.s32 $0xFFFFFF80  }
0x11d: {  	_ =	swait.ge [sflag:s8], $0x80  }
0x11e: {  	[sflag:s8] =	ssyncset.done $0x0  }
0x11f: {  	[sflag:s8] =	ssyncadd.s32 $0xFFFFFF80  }
0x120: {  	_ =	swait.ge [sflag:s8], $0x80  }
0x121: {  	[sflag:s8] =	ssyncset.done $0x0  }
0x122: {  	[sflag:s8] =	ssyncadd.s32 $0xFFFFFF80  }
0x123: {  	_ =	swait.ge [sflag:s8], $0x80  }
0x124: {  	[sflag:s8] =	ssyncset.done $0x0  }
0x125: {  	[sflag:s8] =	ssyncadd.s32 $0xFFFFFF80  }
0x126: {  	_ =	swait.ge [sflag:s8], $0x80  }
0x127: {  	[sflag:s8] =	ssyncset.done $0x0  }
0x128: {  	[sflag:s8] =	ssyncadd.s32 $0xFFFFFF80  }
0x129: {  	_ =	swait.ge [sflag:s8], $0x80  }
0x12a: {  	[sflag:s8] =	ssyncset.done $0x0  }
0x12b: {  	[sflag:s8] =	ssyncadd.s32 $0xFFFFFF80  }
0x12c: {  	_ =	swait.ge [sflag:s8], $0x80  }
0x12d: {  	[sflag:s8] =	ssyncset.done $0x0  }
0x12e: {  	[sflag:s8] =	ssyncadd.s32 $0xFFFFFF80  }
0x12f: {  	_ =	swait.ge [sflag:s8], $0x80  }
0x130: {  	[sflag:s8] =	ssyncset.done $0x0  }
0x131: {  	[sflag:s8] =	ssyncadd.s32 $0xFFFFFF80  }
0x132: {  	[spmem:s1] =	stream.indirect.scatter.add.f32 [tilespmem:s13], [sflag:$0x1], $0x1, s12, s7, $0xb8;
	[tilespmem:$0x2D00] =	vst v63  }
0x133: {  	_ = 	snop  }
0x134: {  	[spmem:s1] =	stream.indirect.scatter.add.f32 [tilespmem:s15], [sflag:$0x1], $0x1, s14, s7, $0xb8;
	[tilespmem:$0x2D00] =	vst v63  }
0x135: {  	_ = 	snop  }
0x136: {  	[spmem:s1] =	stream.indirect.scatter.add.f32 [tilespmem:s17], [sflag:$0x1], $0x1, s16, s7, $0xb8;
	[tilespmem:$0x2D00] =	vst v63  }
0x137: {  	_ = 	snop  }
0x138: {  	[spmem:s1] =	stream.indirect.scatter.add.f32 [tilespmem:s19], [sflag:$0x1], $0x1, s18, s7, $0xb8;
	[tilespmem:$0x2D00] =	vst v63  }
0x139: {  	_ = 	snop  }
0x13a: {  	[spmem:s1] =	stream.indirect.scatter.add.f32 [tilespmem:s21], [sflag:$0x1], $0x1, s20, s7, $0xb8;
	[tilespmem:$0x2D00] =	vst v63  }
0x13b: {  	_ = 	snop  }
0x13c: {  	[spmem:s1] =	stream.indirect.scatter.add.f32 [tilespmem:s23], [sflag:$0x1], $0x1, s22, s7, $0xb8;
	[tilespmem:$0x2D00] =	vst v63  }
0x13d: {  	_ = 	snop  }
0x13e: {  	[spmem:s1] =	stream.indirect.scatter.add.f32 [tilespmem:s25], [sflag:$0x1], $0x1, s24, s7, $0xb8;
	[tilespmem:$0x2D00] =	vst v63  }
0x13f: {  	_ = 	snop  }
0x140: {  	[spmem:s1] =	stream.indirect.scatter.add.f32 [tilespmem:s28], [sflag:$0x1], $0x1, s26, s7, $0xb8;
	[tilespmem:$0x2D00] =	vst v63  }
0x141: {  	_ =	swait.ge [sflag:s8], $0x80  }
0x142: {  	[sflag:s8] =	ssyncset.done $0x0  }
0x143: {  	[sflag:s8] =	ssyncadd.s32 $0xFFFFFF80  }
0x144: {  	_ =	swait.ge [sflag:s8], $0x80  }
0x145: {  	[sflag:s8] =	ssyncset.done $0x0  }
0x146: {  	[sflag:s8] =	ssyncadd.s32 $0xFFFFFF80  }
0x147: {  	_ =	swait.ge [sflag:s8], $0x80  }
0x148: {  	[sflag:s8] =	ssyncset.done $0x0  }
0x149: {  	[sflag:s8] =	ssyncadd.s32 $0xFFFFFF80  }
0x14a: {  	_ =	swait.ge [sflag:s8], $0x80  }
0x14b: {  	[sflag:s8] =	ssyncset.done $0x0  }
0x14c: {  	[sflag:s8] =	ssyncadd.s32 $0xFFFFFF80  }
0x14d: {  	_ =	swait.ge [sflag:s8], $0x80  }
0x14e: {  	[sflag:s8] =	ssyncset.done $0x0  }
0x14f: {  	[sflag:s8] =	ssyncadd.s32 $0xFFFFFF80  }
0x150: {  	_ =	swait.ge [sflag:s8], $0x80  }
0x151: {  	[sflag:s8] =	ssyncset.done $0x0  }
0x152: {  	[sflag:s8] =	ssyncadd.s32 $0xFFFFFF80  }
0x153: {  	_ =	swait.ge [sflag:s8], $0x80  }
0x154: {  	[sflag:s8] =	ssyncset.done $0x0  }
0x155: {  	[sflag:s8] =	ssyncadd.s32 $0xFFFFFF80  }
0x156: {  	_ =	swait.ge [sflag:s8], $0x80  }
0x157: {  	[sflag:s8] =	ssyncset.done $0x0  }
0x158: {  	s3 =	sadd.s32 $0xFFFFFFFF, s3;
	[sflag:s8] =	ssyncadd.s32 $0xFFFFFF80  }
0x159: {  	p1 =	sne.s32 s3, $0x0;
	[bflag:$0x0] =	sbarrier.arrive $0xFFFF  }
0x15a: {  	s30 =	simm.s32 @!p0 $0x1C03;
	s29 =	sshrl.u32 @!p0 s1, $0x3;
	s0 =	rddreg [dreg:$0x6]  }
0x15b: {  	[hbm:s0], [sflag:s30] =	dma.local @!p0 [spmem:s29], $0x500  }
.Ltmp0:
0x15c: {  	_ = 	snop;
	(pc) =	sbr.rel @p1 .LBB2_1-.Ltmp0, $4  }
0x15d: {  	s0 =	simm.s32 @!p0 $0x3  }
0x15e: {  	_ =	swait.ge @!p0 [sflag:s0], $0x500  }
0x15f: {  	[sflag:s0] =	ssyncset.done @!p0 $0x0  }
0x160: {  	[sflag:s0] =	ssyncadd.s32 @!p0 $0xFFFFFB00  }
0x161: {  	_ =	sfence.sel $0x180000  }
0x162: {  	[bflag:$0x0] =	sbarrier.arrive $0xFFFF  }
0x163: {  	_ =	strace $0x90000047  }
0x164: {  	[bflag:$0x2] =	sbarrier.arrive $0xFFFF  }
0x165: {  	s0 =	rddreg [dreg:$0x2]  }
0x166: {  	s0 =	sadd.s32 @!p0 $0x100000, s0  }
0x167: {  	[sflag:s0] =	ssyncadd.tile.s32 @!p0 $0x1;
	_ =	shalt  }
.Lfunc_end2:
_tile_overlayer_lowered:
.L_overlay_start_2:
0x168: {  	(tag) =	ssettag $0x2  }
0x169: {  	s0 =	rddreg [dreg:$0x0];
	s2 =	stileid.u32  }
0x16a: {  	s1 =	rddreg [dreg:$0x1];
	p0 =	sne.s32 s2, $0x0  }
0x16b: {  	s3 =	rddreg [dreg:$0x2];
	[bflag:$0x3] =	sbarrier.arrive $0xFFFF;
	s2 =	simm.s32 @!p0 $0x1C03  }
0x16c: {  	[timem:s3], [sflag:s2] =	dma.local @!p0 [hbm:s0], s1  }
0x16d: {  	s0 =	simm.s32 @!p0 $0x3  }
0x16e: {  	_ =	swait.ge @!p0 [sflag:s0], s1  }
0x16f: {  	s1 =	ssub.s32 @!p0 $0x0, s1;
	[sflag:s0] =	ssyncset.done @!p0 $0x0  }
0x170: {  	[sflag:s0] =	ssyncadd.s32 @!p0 s1  }
0x171: {  	[bflag:$0x3] =	sbarrier.arrive $0xFFFF  }
0x172: {  	_ =	shalt  }

// kernel: kernel.9.cloned.1.call-start
scs
__scs_entry_jumppad:
0x0: {  	(pc) =	sbr.rel $0x88, $3  }
0x1: {  	(tag) =	ssettag $0x0;
	lr =	simm.s32 $0x1  }
0x2: {  	[smem:$0x3F9A] =	sst lr;
	_ =	strace $0xD0000000  }
0x3: {  	_ = 	snop  }
0x4: {  	_ = 	snop  }
0x5: {  	_ = 	snop  }
0x6: {  	_ = 	snop  }
0x7: {  	_ = 	snop  }
__scs_overlays_trampoline_lowered:
0x8: {  	[smem:$0x3FA9] =	sst s0  }
0x9: {  	[smem:$0x3FAA] =	sst s1  }
0xa: {  	[smem:$0x3FAB] =	sst s2  }
0xb: {  	[smem:$0x3FAC] =	sst s3  }
0xc: {  	[smem:$0x3FAD] =	sst s4  }
0xd: {  	[smem:$0x3FAE] =	sst s5  }
0xe: {  	[smem:$0x3FAF] =	sst s6  }
0xf: {  	[smem:$0x3FB0] =	sst s7  }
0x10: {  	[smem:$0x3FB1] =	sst s8  }
0x11: {  	[smem:$0x3FB2] =	sst s9;
	s0 =	simm.s32 @!p0 $0x0  }
0x12: {  	s1 =	sld [smem:$0x3F98];
	s0 =	simm.s32 @p0 $0x1  }
0x13: {  	[smem:$0x3FB3] =	sst s0;
	s0 =	simm.s32 @!p1 $0x0  }
0x14: {  	s2 =	sld [smem:$0x3F97];
	s0 =	simm.s32 @p1 $0x1  }
0x15: {  	[smem:$0x3FB4] =	sst s0;
	s0 =	simm.s32 @!p2 $0x0  }
0x16: {  	s3 =	sld [smem:$0x3FDB];
	s0 =	simm.s32 @p2 $0x1  }
0x17: {  	s4 =	simm.s32 $0x1BF5;
	[smem:$0x3FB6] =	sst s0  }
0x18: {  	s0 =	sld [smem:$0x3F99];
	_ =	swait.ge [sflag:s4], $0x0  }
0x19: {  	s7 =	sld [smem:$0x3F9A]  }
0x1a: {  	s8 =	sadd.s32 $0xFFFFE003, lr  }
0x1b: {  	s9 =	sadd.s32 $0xFFFFFEF7, lr;
	s5 =	simm.s32 $0xFFFFFFFF;
	p2 =	slt.u32 s8, $0xFFFFF086  }
0x1c: {  	p1 =	slt.u32 s9, $0xF7A;
	s5 =	simm.s32 @!p2 $0x0  }
0x1d: {  	s5 =	simm.s32 @p1 $0x1;
	p0 =	seq.s32 s7, s2  }
0x1e: {  	s7 =	smul.u32 @!p0 $0xF7A, s2;
	p2 =	seq.s32 @!p0 s5, $0x0  }
0x1f: {  	s9 =	smul.u32 $0xF7A, s1;
	s8 =	simm.s32 @!p0 $0x1BF5;
	p2 =	por !p2, p0  }
0x20: {  	[sflag:s8] =	ssyncset.s32 @!p0 $0xFFFFF086;
	s6 =	sadd.s32 @!p0 s3, s7;
	s7 =	simm.s32 @!p0 $0x108  }
0x21: {  	s3 =	sadd.s32 s3, s9;
	s6 =	sadd.s32 @!p0 $0x88, s6;
	s7 =	simm.s32 @p2 $0x1082  }
0x22: {  	[simem:s7], [sflag:s8] =	dma.local @!p0 [hbm:s6], $0xF7A  }
0x23: {  	s9 =	sor.u32 $0xD0000000, s2;
	s6 =	simm.s32 $0x108;
	_ =	swait.ge @!p0 [sflag:s8], $0x0  }
0x24: {  	s3 =	sadd.s32 $0x88, s3;
	s6 =	simm.s32 @!p1 $0x1082;
	[sflag:s4] =	ssyncset.s32 $0xFFFFF086  }
0x25: {  	[simem:s6], [sflag:s4] =	dma.local [hbm:s3], $0xF7A  }
0x26: {  	[smem:$0x3F9A] =	sst s1;
	(tag) =	ssettag s2;
	_ =	strace s9  }
0x27: {  	s1 =	sld [smem:$0x3FAA]  }
0x28: {  	s2 =	sld [smem:$0x3FAB]  }
0x29: {  	s4 =	sld [smem:$0x3FAD]  }
0x2a: {  	p0 =	seq.s32 s5, $0x0;
	s5 =	sld [smem:$0x3FAE]  }
0x2b: {  	s6 =	sld [smem:$0x3FAF]  }
0x2c: {  	s7 =	sld [smem:$0x3FB0]  }
0x2d: {  	s3 =	simm.s32 $0x108;
	s8 =	sld [smem:$0x3FB1]  }
0x2e: {  	s3 =	simm.s32 @!p0 $0x1082;
	s9 =	sld [smem:$0x3FB2]  }
0x2f: {  	lr =	sadd.s32 s0, s3;
	s0 =	sld [smem:$0x3FA9]  }
0x30: {  	s3 =	sld [smem:$0x3FAC]  }
0x31: {  	[smem:$0x3FB5] =	sst s10  }
0x32: {  	s10 =	sld [smem:$0x3FB3];
	_ =	sdelay $0x3  }
0x33: {  	p0 =	seq.s32 s10, $0x1;
	s10 =	sld [smem:$0x3FB5];
	_ =	sdelay $0x3  }
0x34: {  	[smem:$0x3FB5] =	sst s10  }
0x35: {  	s10 =	sld [smem:$0x3FB4];
	_ =	sdelay $0x3  }
0x36: {  	p1 =	seq.s32 s10, $0x1;
	s10 =	sld [smem:$0x3FB5];
	_ =	sdelay $0x3  }
0x37: {  	[smem:$0x3FB5] =	sst s10  }
0x38: {  	s10 =	sld [smem:$0x3FB6]  }
0x39: {  	_ = 	snop;
	(pc) =	sbr.ind lr, $3  }
0x3a: {  	_ = 	snop  }
0x3b: {  	_ = 	snop  }
0x3c: {  	p2 =	seq.s32 s10, $0x1;
	s10 =	sld [smem:$0x3FB5]  }
0x3d: {  	_ =	shalt  }
0x3e: {  	_ =	shalt  }
0x3f: {  	_ =	shalt  }
0x40: {  	_ =	shalt  }
0x41: {  	_ =	shalt  }
0x42: {  	_ =	shalt  }
0x43: {  	_ =	shalt  }
0x44: {  	_ =	shalt  }
0x45: {  	_ =	shalt  }
0x46: {  	_ =	shalt  }
0x47: {  	_ =	shalt  }
0x48: {  	_ =	shalt  }
0x49: {  	_ =	shalt  }
0x4a: {  	_ =	shalt  }
0x4b: {  	_ =	shalt  }
0x4c: {  	_ =	shalt  }
0x4d: {  	_ =	shalt  }
0x4e: {  	_ =	shalt  }
0x4f: {  	_ =	shalt  }
0x50: {  	_ =	shalt  }
0x51: {  	_ =	shalt  }
0x52: {  	_ =	shalt  }
0x53: {  	_ =	shalt  }
0x54: {  	_ =	shalt  }
0x55: {  	_ =	shalt  }
0x56: {  	_ =	shalt  }
0x57: {  	_ =	shalt  }
0x58: {  	_ =	shalt  }
0x59: {  	_ =	shalt  }
0x5a: {  	_ =	shalt  }
0x5b: {  	_ =	shalt  }
0x5c: {  	_ =	shalt  }
0x5d: {  	_ =	shalt  }
0x5e: {  	_ =	shalt  }
0x5f: {  	_ =	shalt  }
0x60: {  	_ =	shalt  }
0x61: {  	_ =	shalt  }
0x62: {  	_ =	shalt  }
0x63: {  	_ =	shalt  }
0x64: {  	_ =	shalt  }
0x65: {  	_ =	shalt  }
0x66: {  	_ =	shalt  }
0x67: {  	_ =	shalt  }
0x68: {  	_ =	shalt  }
0x69: {  	_ =	shalt  }
0x6a: {  	_ =	shalt  }
0x6b: {  	_ =	shalt  }
0x6c: {  	_ =	shalt  }
0x6d: {  	_ =	shalt  }
0x6e: {  	_ =	shalt  }
0x6f: {  	_ =	shalt  }
0x70: {  	_ =	shalt  }
0x71: {  	_ =	shalt  }
0x72: {  	_ =	shalt  }
0x73: {  	_ =	shalt  }
0x74: {  	_ =	shalt  }
0x75: {  	_ =	shalt  }
0x76: {  	_ =	shalt  }
0x77: {  	_ =	shalt  }
0x78: {  	_ =	shalt  }
0x79: {  	_ =	shalt  }
0x7a: {  	_ =	shalt  }
0x7b: {  	_ =	shalt  }
0x7c: {  	_ =	shalt  }
0x7d: {  	_ =	shalt  }
0x7e: {  	_ =	shalt  }
0x7f: {  	_ =	shalt  }
0x80: {  	_ =	shalt  }
0x81: {  	_ =	shalt  }
0x82: {  	_ =	shalt  }
0x83: {  	_ =	shalt  }
0x84: {  	_ =	shalt  }
0x85: {  	_ =	shalt  }
0x86: {  	_ =	shalt  }
0x87: {  	_ =	shalt  }
.Lfunc_end0:
.L_simem_size_0:
called_computation.1_lowered:
.L_overlay_start_0:
0x88: {  	s2 =	sld [smem:$0x3FD9]  }
0x89: {  	s3 =	sld [smem:$0x3FFE];
	_ =	sdelay $0x1  }
0x8a: {  	s1 =	srdreg.scid  }
0x8b: {  	s0 =	sand.u32 $0x1, s1  }
0x8c: {  	s17 =	sshll.u32 s0, $0xA;
	s2 =	sadd.s32 s3, s2  }
0x8d: {  	s2 =	sadd.s32 s2, s17  }
0x8e: {  	[smem:$0x3FC1] =	sst s2  }
0x8f: {  	_ = 	snop  }
0x90: {  	(tm) =	ssettm $0x1  }
0x91: {  	s18 =	sld [smem:$0x3FFB];
	_ =	sdelay $0x3  }
0x92: {  	_ =	strace s18  }
0x93: {  	s2 =	sld [smem:$0x3FFC];
	_ =	sdelay $0x3  }
0x94: {  	_ =	strace s2  }
0x95: {  	s2 =	sld [smem:$0x3FFD];
	_ =	sdelay $0x3  }
0x96: {  	_ =	strace s2  }
0x97: {  	_ =	strace $0x8FFFFFFF  }
0x98: {  	s19 =	sld [smem:$0x3FDB];
	_ =	sdelay $0x1  }
0x99: {  	s20 =	simm.s32 $_scs_section_size  }
0x9a: {  	s4 =	simm.s32 $_size__tile_overlayer_lowered;
	s5 =	simm.s32 $_tile_overlayer_lowered  }
0x9b: {  	s6 =	simm.s32 $0x1BFF;
	s21 =	sshll.u32 s5, $0x1;
	s3 =	sadd.s32 s20, s19  }
0x9c: {  	s22 =	simm.s32 $0x0;
	s4 =	sshll.u32 s4, $0x1;
	s5 =	sadd.s32 s21, s3  }
0x9d: {  	[timem:s22], [sflag:s6] =	dma.local [hbm:s5], s4  }
0x9e: {  	_ =	swait.ge [sflag:s6], s4  }
0x9f: {  	s4 =	ssub.s32 $0x0, s4;
	[sflag:s6] =	ssyncset.done $0x0  }
0xa0: {  	[sflag:s6] =	ssyncadd.s32 s4;
	_ =	sdelay $0x1  }
0xa1: {  	s23 =	simm.s32 $0x1B8B  }
0xa2: {  	_ =	swait.ge [sflag:s23], $0x1  }
0xa3: {  	[sflag:s23] =	ssyncset.done $0x0  }
0xa4: {  	[sflag:s23] =	ssyncadd.s32 $0xFFFFFFFF  }
0xa5: {  	s4 =	sld [smem:$0x0]  }
0xa6: {  	s5 =	sand.u32 $0xFFFFFFFE, s1  }
0xa7: {  	p0 =	sne.s32 s1, s5  }
0xa8: {  	s5 =	sshll.u32 @p0 s5, $0xE  }
0xa9: {  	s5 =	sadd.s32 @p0 $0x11B8D, s5;
	s6 =	sshll.u32 @p0 s4, $0x11  }
0xaa: {  	s5 =	sor.u32 @p0 s6, s5  }
0xab: {  	[sflag:s5] =	ssyncadd.remote.s32 @p0 $0x1;
	_ =	sdelay $0x1  }
0xac: {  	s5 =	simm.s32 @p0 $0x1B8D  }
0xad: {  	_ =	swait.eq @p0 [sflag:s5], $0x1  }
0xae: {  	[sflag:s5] =	ssyncadd.s32 @p0 $0xFFFFFFFF  }
0xaf: {  	s6 =	sshll.u32 @!p0 s1, $0xE  }
0xb0: {  	s6 =	sor.u32 @!p0 $0x4000, s6;
	s5 =	simm.s32 @!p0 $0x1B8D  }
0xb1: {  	s4 =	sshll.u32 @!p0 s4, $0x11;
	s6 =	sadd.s32 @!p0 $0x11B8D, s6;
	_ =	swait.eq @!p0 [sflag:s5], $0x1  }
0xb2: {  	s4 =	sor.u32 @!p0 s4, s6;
	[sflag:s5] =	ssyncadd.s32 @!p0 $0xFFFFFFFF  }
0xb3: {  	s25 =	simm.s32 $0x1B8E;
	s24 =	sld [smem:$0x3FFE];
	[sflag:s4] =	ssyncadd.remote.s32 @!p0 $0x1  }
0xb4: {  	s26 =	simm.s32 $execute0_lowered;
	[smem:$0x3FD2] =	sst s25  }
0xb5: {  	s5 =	sshll.u32 s26, $0x1;
	_ =	strace $0x80000049;
	[dreg:$0x1] =	wrdreg $0xFFFFFFFF  }
0xb6: {  	s28 =	simm.s32 $_size_execute0_lowered;
	s3 =	sadd.s32 s3, s5;
	[dreg:$0x0] =	wrdreg $0x0  }
0xb7: {  	s5 =	sshll.u32 s28, $0x1;
	[dreg:$0x2] =	wrdreg s3  }
0xb8: {  	[dreg:$0x3] =	wrdreg s5  }
0xb9: {  	[dreg:$0x4] =	wrdreg $0xC0  }
0xba: {  	_ =	task [dreg:s22], $0x5FFFF  }
0xbb: {  	[dreg:$0x1] =	wrdreg $0xFFFFFFFF  }
0xbc: {  	[dreg:$0x0] =	wrdreg $0x60  }
0xbd: {  	[dreg:$0x2] =	wrdreg s24  }
0xbe: {  	[dreg:$0x3] =	wrdreg $0x2A800  }
0xbf: {  	[dreg:$0x4] =	wrdreg $0xA  }
0xc0: {  	_ =	task.clear_ibuf [dreg:s22], $0x5FFFF;
	_ =	strace $0x90000049  }
0xc1: {  	s29 =	simm.s32 $0xA;
	_ =	strace $0x8000004B  }
0xc2: {  	_ =	swait.ge [sflag:s29], $0x1  }
0xc3: {  	[sflag:s29] =	ssyncadd.s32 $0xFFFFFFFF  }
0xc4: {  	_ =	strace $0x9000004B  }
0xc5: {  	_ =	sfence  }
0xc6: {  	s30 =	sld [smem:$0x0];
	_ =	sdelay $0x2  }
0xc7: {  	s31 =	sshll.u32 s1, $0xD;
	s1 =	sshrl.u32 s1, $0x2  }
0xc8: {  	s4 =	sand.u32 $0x4000, s31;
	s1 =	sadd.s32 s1, s30  }
0xc9: {  	s0 =	sor.u32 s4, s0;
	s1 =	sshll.u32 s1, $0x11  }
0xca: {  	s0 =	sor.u32 s1, s0  }
0xcb: {  	s0 =	sadd.s32 $0x8F2B, s0  }
0xcc: {  	[sflag:s0] =	ssyncadd.remote.s32 $0x1  }
0xcd: {  	_ =	sfence.sel $0xFFFF  }
0xce: {  	[dreg:$0x0] =	wrdreg $0xFFFFFFFF;
	(pc) =	sbr.abs _section_cstart, $3  }
0xcf: {  	[dreg:$0x1] =	wrdreg $0xFFFFFFFF  }
0xd0: {  	_ =	task.clear_ibuf [dreg:s22], $0x2FFFF;
	_ =	strace $0x9FFFFFFF  }
0xd1: {  	(tm) =	ssettm $0x7FFFFFFF  }
tec
execute0_lowered:
.L_overlay_start_1:
0x0: {  	(tag) =	ssettag $0x1  }
0x1: {  	s5 =	rddreg [dreg:$0x0]  }
0x2: {  	s1 =	rddreg [dreg:$0x1];
	s2 =	simm.s32 $0x0  }
0x3: {  	s20 =	simm.s32 $0x2800;
	[smem:$0x7FF] =	sst s2  }
0x4: {  	s21 =	simm.s32 $0x1480;
	_ =	strace $0x8000004A;
	[dreg:$0x7] =	wrdreg s20  }
0x5: {  	s22 =	simm.s32 $0x1500;
	[dreg:$0x8] =	wrdreg s21  }
0x6: {  	s23 =	simm.s32 $0x100;
	[dreg:$0x9] =	wrdreg s22  }
0x7: {  	s24 =	simm.s32 $0x1580;
	[dreg:$0xa] =	wrdreg s23  }
0x8: {  	s25 =	simm.s32 $0x180;
	[dreg:$0xb] =	wrdreg s24  }
0x9: {  	s26 =	simm.s32 $0x1600;
	[dreg:$0xc] =	wrdreg s25  }
0xa: {  	s29 =	simm.s32 $0x200;
	[dreg:$0xd] =	wrdreg s26  }
0xb: {  	s30 =	simm.s32 $0x1680;
	[dreg:$0xe] =	wrdreg s29  }
0xc: {  	s31 =	simm.s32 $0x280;
	[dreg:$0xf] =	wrdreg s30  }
0xd: {  	s10 =	simm.s32 $0x400;
	[dreg:$0x10] =	wrdreg s31  }
0xe: {  	s11 =	simm.s32 $0x1880;
	[dreg:$0x16] =	wrdreg s10  }
0xf: {  	s12 =	simm.s32 $0x480;
	[dreg:$0x17] =	wrdreg s11  }
0x10: {  	s13 =	simm.s32 $0x1900;
	[dreg:$0x18] =	wrdreg s12  }
0x11: {  	s0 =	srdreg.scid;
	s14 =	simm.s32 $0x500;
	[dreg:$0x19] =	wrdreg s13  }
0x12: {  	s4 =	stileid.u32;
	s15 =	simm.s32 $0x1980;
	[dreg:$0x1a] =	wrdreg s14  }
0x13: {  	s16 =	simm.s32 $0x580;
	s17 =	simm.s32 $0x1A00;
	[dreg:$0x1b] =	wrdreg s15  }
0x14: {  	s3 =	sand.u32 $0x1, s0;
	s18 =	sshll.u32 s4, $0x1;
	[dreg:$0x1c] =	wrdreg s16  }
0x15: {  	s0 =	sor.u32 s3, s18;
	[dreg:$0x1d] =	wrdreg s17;
	s18 =	simm.s32 $0x600  }
0x16: {  	s20 =	simm.s32 $0x680;
	[dreg:$0x1e] =	wrdreg s18  }
0x17: {  	s21 =	simm.s32 $0x1B00;
	[smem:$0x7DC] =	sst s20  }
0x18: {  	s22 =	simm.s32 $0x700;
	[smem:$0x7DD] =	sst s21  }
0x19: {  	s23 =	simm.s32 $0x1B80;
	[smem:$0x7DE] =	sst s22  }
0x1a: {  	s24 =	simm.s32 $0x780;
	[smem:$0x7DF] =	sst s23  }
0x1b: {  	s25 =	simm.s32 $0x1C00;
	[smem:$0x7E0] =	sst s24  }
0x1c: {  	s26 =	simm.s32 $0x800;
	[smem:$0x7E1] =	sst s25  }
0x1d: {  	s29 =	simm.s32 $0x1C80;
	[smem:$0x7E2] =	sst s26  }
0x1e: {  	s30 =	simm.s32 $0x880;
	[smem:$0x7E3] =	sst s29  }
0x1f: {  	s31 =	simm.s32 $0x1D00;
	[smem:$0x7E4] =	sst s30  }
0x20: {  	s10 =	simm.s32 $0x1E80;
	[smem:$0x7E5] =	sst s31  }
0x21: {  	s28 =	simm.s32 $0x1380;
	s11 =	simm.s32 $0xA80;
	[smem:$0x7EB] =	sst s10  }
0x22: {  	s7 =	smul.u32 $0xA00, s4;
	s12 =	simm.s32 $0x1F00;
	[smem:$0x7EC] =	sst s11  }
0x23: {  	p0 =	sne.s32 s4, $0x0;
	s13 =	simm.s32 $0xB00;
	[smem:$0x7ED] =	sst s12  }
0x24: {  	s4 =	simm.s32 $0x1400;
	s14 =	simm.s32 $0x1F80;
	[smem:$0x7EE] =	sst s13  }
0x25: {  	s8 =	smul.u32 $0x500, s3;
	s15 =	simm.s32 $0xB80;
	[smem:$0x7EF] =	sst s14  }
0x26: {  	s16 =	simm.s32 $0x2000;
	s17 =	simm.s32 $0xC00;
	[smem:$0x7F0] =	sst s15  }
0x27: {  	s3 =	ssub.s32 $0x2, s3;
	s6 =	smul.u32 $0x280, s0;
	[smem:$0x7F1] =	sst s16  }
0x28: {  	s7 =	sshrl.u32 s7, $0x2;
	s0 =	simm.s32 $0x1700;
	[smem:$0x7F2] =	sst s17  }
0x29: {  	s18 =	simm.s32 $0x2080;
	s20 =	simm.s32 $0x2100;
	[dreg:$0x11] =	wrdreg s0  }
0x2a: {  	s21 =	sshrl.u32 s3, $0x1;
	s22 =	simm.s32 $0xD00;
	[smem:$0x7F3] =	sst s18  }
0x2b: {  	s23 =	simm.s32 $0x2180;
	s24 =	simm.s32 $0xD80;
	[smem:$0x7F5] =	sst s20  }
0x2c: {  	s25 =	simm.s32 $0x2200;
	s26 =	simm.s32 $0xE00;
	[smem:$0x7F6] =	sst s22  }
0x2d: {  	s29 =	simm.s32 $0x2280;
	s30 =	simm.s32 $0xE80;
	[smem:$0x7F7] =	sst s23  }
0x2e: {  	s31 =	simm.s32 $0x2300;
	s10 =	simm.s32 $0x2380;
	[smem:$0x7F8] =	sst s24  }
0x2f: {  	s11 =	simm.s32 $0xF80;
	s12 =	simm.s32 $0x2400;
	[smem:$0x7F9] =	sst s25  }
0x30: {  	s13 =	simm.s32 $0x1000;
	s14 =	simm.s32 $0x2480;
	[smem:$0x7FA] =	sst s26  }
0x31: {  	s15 =	simm.s32 $0x1080;
	s16 =	simm.s32 $0x2500;
	[smem:$0x7FB] =	sst s29  }
0x32: {  	s17 =	simm.s32 $0x1100;
	s19 =	sadd.s32 s7, s1;
	[smem:$0x7FC] =	sst s30  }
0x33: {  	s7 =	simm.s32 $0x1780;
	s0 =	simm.s32 $0x900;
	[smem:$0x7FD] =	sst s31  }
0x34: {  	s3 =	ssub.s32 s3, s21;
	s18 =	simm.s32 $0x2580;
	[dreg:$0x5] =	wrdreg s19  }
0x35: {  	s20 =	simm.s32 $0x2600;
	s6 =	sadd.s32 s6, s5;
	[dreg:$0x13] =	wrdreg s7  }
0x36: {  	s5 =	sadd.s32 s8, s5;
	s8 =	simm.s32 $0x380;
	[smem:$0x7E6] =	sst s0  }
0x37: {  	s21 =	simm.s32 $0x1200;
	s19 =	simm.s32 $0x1A80;
	[dreg:$0x14] =	wrdreg s8  }
0x38: {  	s22 =	simm.s32 $0x2680;
	s7 =	simm.s32 $0x980;
	[dreg:$0x1f] =	wrdreg s19  }
0x39: {  	s23 =	simm.s32 $0x1280;
	s9 =	sadd.s32 $0xC000, s6;
	[smem:$0x7E8] =	sst s7  }
0x3a: {  	s24 =	simm.s32 $0x2700;
	s6 =	sadd.s32 $0x11000, s6;
	[dreg:$0x3] =	wrdreg s9  }
0x3b: {  	s25 =	simm.s32 $0x1300;
	s5 =	sadd.s32 $0x16000, s5;
	[dreg:$0x4] =	wrdreg s6  }
0x3c: {  	s26 =	simm.s32 $0x2780;
	s8 =	simm.s32 $0x1E00;
	[dreg:$0x6] =	wrdreg s5  }
0x3d: {  	s3 =	smax.u32 s3, $0x1;
	s19 =	simm.s32 $0xC80;
	[smem:$0x7E9] =	sst s8  }
0x3e: {  	s7 =	simm.s32 $0x80;
	s6 =	simm.s32 $0x300;
	[smem:$0x7F4] =	sst s19  }
0x3f: {  	s9 =	simm.s32 $0x1800;
	s5 =	simm.s32 $0x3;
	[dreg:$0x12] =	wrdreg s6  }
0x40: {  	s8 =	simm.s32 $0x1;
	[dreg:$0x15] =	wrdreg s9;
	s6 =	simm.s32 $0x1D80  }
0x41: {  	s19 =	simm.s32 $0x1180;
	s9 =	simm.s32 $0xA00;
	[smem:$0x7E7] =	sst s6  }
0x42: {  	v0 =	vimm.f32 $0.0e+00;
	[smem:$0x7EA] =	sst s9;
	s6 =	simm.s32 $0x2;
	s9 =	simm.s32 $0xF00  }
.LBB2_1:
0x43: {  	s29 =	rddreg [dreg:$0x3]  }
0x44: {  	[tilespmem:s2], [sflag:$0x2] =	stream.linear.gather [hbm4b:s29+s2], $0x1400, $0x38;
	[tilespmem:$0x2D00] =	vst v63  }
0x45: {  	s30 =	rddreg [dreg:$0x4]  }
0x46: {  	[tilespmem:s4], [sflag:$0x2] =	stream.linear.gather [hbm4b:s30+s2], $0x1400, $0x38;
	[tilespmem:$0x2D00] =	vst v63  }
0x47: {  	[tilespmem:$0x2800] =	vst v0  }
0x48: {  	[tilespmem:$0x2810] =	vst v0  }
0x49: {  	[tilespmem:$0x2820] =	vst v0  }
0x4a: {  	[tilespmem:$0x2830] =	vst v0  }
0x4b: {  	[tilespmem:$0x2840] =	vst v0  }
0x4c: {  	[tilespmem:$0x2850] =	vst v0  }
0x4d: {  	[tilespmem:$0x2860] =	vst v0  }
0x4e: {  	[tilespmem:$0x2870] =	vst v0  }
0x4f: {  	[tilespmem:$0x2880] =	vst v0  }
0x50: {  	[tilespmem:$0x2890] =	vst v0  }
0x51: {  	[tilespmem:$0x28A0] =	vst v0  }
0x52: {  	[tilespmem:$0x28B0] =	vst v0  }
0x53: {  	[tilespmem:$0x28C0] =	vst v0  }
0x54: {  	[tilespmem:$0x28D0] =	vst v0  }
0x55: {  	[tilespmem:$0x28E0] =	vst v0  }
0x56: {  	[tilespmem:$0x28F0] =	vst v0  }
0x57: {  	[tilespmem:$0x2900] =	vst v0  }
0x58: {  	[tilespmem:$0x2910] =	vst v0  }
0x59: {  	[tilespmem:$0x2920] =	vst v0  }
0x5a: {  	[tilespmem:$0x2930] =	vst v0  }
0x5b: {  	[tilespmem:$0x2940] =	vst v0  }
0x5c: {  	[tilespmem:$0x2950] =	vst v0  }
0x5d: {  	[tilespmem:$0x2960] =	vst v0  }
0x5e: {  	[tilespmem:$0x2970] =	vst v0  }
0x5f: {  	[tilespmem:$0x2980] =	vst v0  }
0x60: {  	[tilespmem:$0x2990] =	vst v0  }
0x61: {  	[tilespmem:$0x29A0] =	vst v0  }
0x62: {  	[tilespmem:$0x29B0] =	vst v0  }
0x63: {  	[tilespmem:$0x29C0] =	vst v0  }
0x64: {  	[tilespmem:$0x29D0] =	vst v0  }
0x65: {  	[tilespmem:$0x29E0] =	vst v0  }
0x66: {  	[tilespmem:$0x29F0] =	vst v0  }
0x67: {  	[tilespmem:$0x2A00] =	vst v0  }
0x68: {  	[tilespmem:$0x2A10] =	vst v0  }
0x69: {  	[tilespmem:$0x2A20] =	vst v0  }
0x6a: {  	[tilespmem:$0x2A30] =	vst v0  }
0x6b: {  	[tilespmem:$0x2A40] =	vst v0  }
0x6c: {  	[tilespmem:$0x2A50] =	vst v0  }
0x6d: {  	s0 =	rddreg [dreg:$0x5];
	[tilespmem:$0x2A60] =	vst v0  }
0x6e: {  	s31 =	rddreg [dreg:$0x7];
	[tilespmem:$0x2A70] =	vst v0  }
0x6f: {  	[spmem:s0] =	stream.linear.scatter [tilespmem:s31], [sflag:$0x3], $0x280, $0x38;
	[tilespmem:$0x2D00] =	vst v63  }
0x70: {  	_ =	swait.ge [sflag:s5], $0x280  }
0x71: {  	[sflag:s5] =	ssyncset.done $0x0  }
0x72: {  	[sflag:s5] =	ssyncadd.s32 $0xFFFFFD80  }
0x73: {  	_ =	swait.ge [sflag:s6], $0x1400  }
0x74: {  	[sflag:s6] =	ssyncset.done $0x0  }
0x75: {  	[sflag:s6] =	ssyncadd.s32 $0xFFFFEC00  }
0x76: {  	_ =	swait.ge [sflag:s6], $0x1400  }
0x77: {  	[sflag:s6] =	ssyncset.done $0x0  }
0x78: {  	[sflag:s6] =	ssyncadd.s32 $0xFFFFEC00  }
0x79: {  	[bflag:$0x0] =	sbarrier.arrive $0xFFFF  }
0x7a: {  	s0 =	rddreg [dreg:$0x8]  }
0x7b: {  	[spmem:s1] =	stream.indirect.scatter.add.f32 [tilespmem:s2], [sflag:$0x1], $0x1, s4, s7, $0xb8;
	[tilespmem:$0x2D00] =	vst v63  }
0x7c: {  	s29 =	rddreg [dreg:$0x9]  }
0x7d: {  	s30 =	rddreg [dreg:$0xa]  }
0x7e: {  	s31 =	rddreg [dreg:$0xb]  }
0x7f: {  	[spmem:s1] =	stream.indirect.scatter.add.f32 [tilespmem:s7], [sflag:$0x1], $0x1, s0, s7, $0xb8;
	[tilespmem:$0x2D00] =	vst v63  }
0x80: {  	s0 =	rddreg [dreg:$0xc]  }
0x81: {  	[spmem:s1] =	stream.indirect.scatter.add.f32 [tilespmem:s30], [sflag:$0x1], $0x1, s29, s7, $0xb8;
	[tilespmem:$0x2D00] =	vst v63  }
0x82: {  	s29 =	rddreg [dreg:$0xe]  }
0x83: {  	s30 =	rddreg [dreg:$0xf]  }
0x84: {  	[spmem:s1] =	stream.indirect.scatter.add.f32 [tilespmem:s0], [sflag:$0x1], $0x1, s31, s7, $0xb8;
	[tilespmem:$0x2D00] =	vst v63  }
0x85: {  	s0 =	rddreg [dreg:$0xd]  }
0x86: {  	s31 =	rddreg [dreg:$0x10]  }
0x87: {  	[spmem:s1] =	stream.indirect.scatter.add.f32 [tilespmem:s29], [sflag:$0x1], $0x1, s0, s7, $0xb8;
	[tilespmem:$0x2D00] =	vst v63  }
0x88: {  	s0 =	rddreg [dreg:$0x11]  }
0x89: {  	s29 =	rddreg [dreg:$0x12]  }
0x8a: {  	[spmem:s1] =	stream.indirect.scatter.add.f32 [tilespmem:s31], [sflag:$0x1], $0x1, s30, s7, $0xb8;
	[tilespmem:$0x2D00] =	vst v63  }
0x8b: {  	s30 =	rddreg [dreg:$0x13]  }
0x8c: {  	[spmem:s1] =	stream.indirect.scatter.add.f32 [tilespmem:s29], [sflag:$0x1], $0x1, s0, s7, $0xb8;
	[tilespmem:$0x2D00] =	vst v63  }
0x8d: {  	s31 =	rddreg [dreg:$0x14]  }
0x8e: {  	[spmem:s1] =	stream.indirect.scatter.add.f32 [tilespmem:s31], [sflag:$0x1], $0x1, s30, s7, $0xb8;
	[tilespmem:$0x2D00] =	vst v63  }
0x8f: {  	_ =	swait.ge [sflag:s8], $0x80  }
0x90: {  	[sflag:s8] =	ssyncset.done $0x0  }
0x91: {  	[sflag:s8] =	ssyncadd.s32 $0xFFFFFF80  }
0x92: {  	_ =	swait.ge [sflag:s8], $0x80  }
0x93: {  	[sflag:s8] =	ssyncset.done $0x0  }
0x94: {  	[sflag:s8] =	ssyncadd.s32 $0xFFFFFF80  }
0x95: {  	_ =	swait.ge [sflag:s8], $0x80  }
0x96: {  	[sflag:s8] =	ssyncset.done $0x0  }
0x97: {  	[sflag:s8] =	ssyncadd.s32 $0xFFFFFF80  }
0x98: {  	_ =	swait.ge [sflag:s8], $0x80  }
0x99: {  	[sflag:s8] =	ssyncset.done $0x0  }
0x9a: {  	[sflag:s8] =	ssyncadd.s32 $0xFFFFFF80  }
0x9b: {  	_ =	swait.ge [sflag:s8], $0x80  }
0x9c: {  	[sflag:s8] =	ssyncset.done $0x0  }
0x9d: {  	[sflag:s8] =	ssyncadd.s32 $0xFFFFFF80  }
0x9e: {  	_ =	swait.ge [sflag:s8], $0x80  }
0x9f: {  	[sflag:s8] =	ssyncset.done $0x0  }
0xa0: {  	[sflag:s8] =	ssyncadd.s32 $0xFFFFFF80  }
0xa1: {  	_ =	swait.ge [sflag:s8], $0x80  }
0xa2: {  	[sflag:s8] =	ssyncset.done $0x0  }
0xa3: {  	[sflag:s8] =	ssyncadd.s32 $0xFFFFFF80  }
0xa4: {  	_ =	swait.ge [sflag:s8], $0x80  }
0xa5: {  	s0 =	rddreg [dreg:$0x15]  }
0xa6: {  	s29 =	rddreg [dreg:$0x16]  }
0xa7: {  	[sflag:s8] =	ssyncset.done $0x0;
	s30 =	rddreg [dreg:$0x17]  }
0xa8: {  	s31 =	rddreg [dreg:$0x18];
	[sflag:s8] =	ssyncadd.s32 $0xFFFFFF80  }
0xa9: {  	[spmem:s1] =	stream.indirect.scatter.add.f32 [tilespmem:s29], [sflag:$0x1], $0x1, s0, s7, $0xb8;
	[tilespmem:$0x2D00] =	vst v63  }
0xaa: {  	s0 =	rddreg [dreg:$0x19]  }
0xab: {  	s29 =	rddreg [dreg:$0x1a]  }
0xac: {  	[spmem:s1] =	stream.indirect.scatter.add.f32 [tilespmem:s31], [sflag:$0x1], $0x1, s30, s7, $0xb8;
	[tilespmem:$0x2D00] =	vst v63  }
0xad: {  	s30 =	rddreg [dreg:$0x1b]  }
0xae: {  	s31 =	rddreg [dreg:$0x1c]  }
0xaf: {  	[spmem:s1] =	stream.indirect.scatter.add.f32 [tilespmem:s29], [sflag:$0x1], $0x1, s0, s7, $0xb8;
	[tilespmem:$0x2D00] =	vst v63  }
0xb0: {  	s0 =	rddreg [dreg:$0x1d]  }
0xb1: {  	s29 =	rddreg [dreg:$0x1e]  }
0xb2: {  	[spmem:s1] =	stream.indirect.scatter.add.f32 [tilespmem:s31], [sflag:$0x1], $0x1, s30, s7, $0xb8;
	[tilespmem:$0x2D00] =	vst v63  }
0xb3: {  	s30 =	rddreg [dreg:$0x1f]  }
0xb4: {  	s31 =	sld [smem:$0x7DC]  }
0xb5: {  	[spmem:s1] =	stream.indirect.scatter.add.f32 [tilespmem:s29], [sflag:$0x1], $0x1, s0, s7, $0xb8;
	[tilespmem:$0x2D00] =	vst v63  }
0xb6: {  	s0 =	sld [smem:$0x7DD]  }
0xb7: {  	s29 =	sld [smem:$0x7DE]  }
0xb8: {  	[spmem:s1] =	stream.indirect.scatter.add.f32 [tilespmem:s31], [sflag:$0x1], $0x1, s30, s7, $0xb8;
	[tilespmem:$0x2D00] =	vst v63  }
0xb9: {  	s30 =	sld [smem:$0x7DF]  }
0xba: {  	s31 =	sld [smem:$0x7E0]  }
0xbb: {  	[spmem:s1] =	stream.indirect.scatter.add.f32 [tilespmem:s29], [sflag:$0x1], $0x1, s0, s7, $0xb8;
	[tilespmem:$0x2D00] =	vst v63  }
0xbc: {  	_ = 	snop  }
0xbd: {  	[spmem:s1] =	stream.indirect.scatter.add.f32 [tilespmem:s31], [sflag:$0x1], $0x1, s30, s7, $0xb8;
	[tilespmem:$0x2D00] =	vst v63  }
0xbe: {  	_ =	swait.ge [sflag:s8], $0x80  }
0xbf: {  	[sflag:s8] =	ssyncset.done $0x0  }
0xc0: {  	[sflag:s8] =	ssyncadd.s32 $0xFFFFFF80  }
0xc1: {  	_ =	swait.ge [sflag:s8], $0x80  }
0xc2: {  	[sflag:s8] =	ssyncset.done $0x0  }
0xc3: {  	[sflag:s8] =	ssyncadd.s32 $0xFFFFFF80  }
0xc4: {  	_ =	swait.ge [sflag:s8], $0x80  }
0xc5: {  	[sflag:s8] =	ssyncset.done $0x0  }
0xc6: {  	[sflag:s8] =	ssyncadd.s32 $0xFFFFFF80  }
0xc7: {  	_ =	swait.ge [sflag:s8], $0x80  }
0xc8: {  	[sflag:s8] =	ssyncset.done $0x0  }
0xc9: {  	[sflag:s8] =	ssyncadd.s32 $0xFFFFFF80  }
0xca: {  	_ =	swait.ge [sflag:s8], $0x80  }
0xcb: {  	[sflag:s8] =	ssyncset.done $0x0  }
0xcc: {  	[sflag:s8] =	ssyncadd.s32 $0xFFFFFF80  }
0xcd: {  	_ =	swait.ge [sflag:s8], $0x80  }
0xce: {  	[sflag:s8] =	ssyncset.done $0x0  }
0xcf: {  	[sflag:s8] =	ssyncadd.s32 $0xFFFFFF80  }
0xd0: {  	_ =	swait.ge [sflag:s8], $0x80  }
0xd1: {  	[sflag:s8] =	ssyncset.done $0x0  }
0xd2: {  	[sflag:s8] =	ssyncadd.s32 $0xFFFFFF80  }
0xd3: {  	_ =	swait.ge [sflag:s8], $0x80  }
0xd4: {  	s0 =	sld [smem:$0x7E1]  }
0xd5: {  	s29 =	sld [smem:$0x7E2]  }
0xd6: {  	[sflag:s8] =	ssyncset.done $0x0;
	s30 =	sld [smem:$0x7E3]  }
0xd7: {  	s31 =	sld [smem:$0x7E4];
	[sflag:s8] =	ssyncadd.s32 $0xFFFFFF80  }
0xd8: {  	[spmem:s1] =	stream.indirect.scatter.add.f32 [tilespmem:s29], [sflag:$0x1], $0x1, s0, s7, $0xb8;
	[tilespmem:$0x2D00] =	vst v63  }
0xd9: {  	s0 =	sld [smem:$0x7E5]  }
0xda: {  	s29 =	sld [smem:$0x7E6]  }
0xdb: {  	[spmem:s1] =	stream.indirect.scatter.add.f32 [tilespmem:s31], [sflag:$0x1], $0x1, s30, s7, $0xb8;
	[tilespmem:$0x2D00] =	vst v63  }
0xdc: {  	s30 =	sld [smem:$0x7E7]  }
0xdd: {  	s31 =	sld [smem:$0x7E8]  }
0xde: {  	[spmem:s1] =	stream.indirect.scatter.add.f32 [tilespmem:s29], [sflag:$0x1], $0x1, s0, s7, $0xb8;
	[tilespmem:$0x2D00] =	vst v63  }
0xdf: {  	s0 =	sld [smem:$0x7E9]  }
0xe0: {  	s29 =	sld [smem:$0x7EA]  }
0xe1: {  	[spmem:s1] =	stream.indirect.scatter.add.f32 [tilespmem:s31], [sflag:$0x1], $0x1, s30, s7, $0xb8;
	[tilespmem:$0x2D00] =	vst v63  }
0xe2: {  	s30 =	sld [smem:$0x7EB]  }
0xe3: {  	s31 =	sld [smem:$0x7EC]  }
0xe4: {  	[spmem:s1] =	stream.indirect.scatter.add.f32 [tilespmem:s29], [sflag:$0x1], $0x1, s0, s7, $0xb8;
	[tilespmem:$0x2D00] =	vst v63  }
0xe5: {  	s0 =	sld [smem:$0x7ED]  }
0xe6: {  	s29 =	sld [smem:$0x7EE]  }
0xe7: {  	[spmem:s1] =	stream.indirect.scatter.add.f32 [tilespmem:s31], [sflag:$0x1], $0x1, s30, s7, $0xb8;
	[tilespmem:$0x2D00] =	vst v63  }
0xe8: {  	s30 =	sld [smem:$0x7EF]  }
0xe9: {  	s31 =	sld [smem:$0x7F0]  }
0xea: {  	[spmem:s1] =	stream.indirect.scatter.add.f32 [tilespmem:s29], [sflag:$0x1], $0x1, s0, s7, $0xb8;
	[tilespmem:$0x2D00] =	vst v63  }
0xeb: {  	_ = 	snop  }
0xec: {  	[spmem:s1] =	stream.indirect.scatter.add.f32 [tilespmem:s31], [sflag:$0x1], $0x1, s30, s7, $0xb8;
	[tilespmem:$0x2D00] =	vst v63  }
0xed: {  	_ =	swait.ge [sflag:s8], $0x80  }
0xee: {  	[sflag:s8] =	ssyncset.done $0x0  }
0xef: {  	[sflag:s8] =	ssyncadd.s32 $0xFFFFFF80  }
0xf0: {  	_ =	swait.ge [sflag:s8], $0x80  }
0xf1: {  	[sflag:s8] =	ssyncset.done $0x0  }
0xf2: {  	[sflag:s8] =	ssyncadd.s32 $0xFFFFFF80  }
0xf3: {  	_ =	swait.ge [sflag:s8], $0x80  }
0xf4: {  	[sflag:s8] =	ssyncset.done $0x0  }
0xf5: {  	[sflag:s8] =	ssyncadd.s32 $0xFFFFFF80  }
0xf6: {  	_ =	swait.ge [sflag:s8], $0x80  }
0xf7: {  	[sflag:s8] =	ssyncset.done $0x0  }
0xf8: {  	[sflag:s8] =	ssyncadd.s32 $0xFFFFFF80  }
0xf9: {  	_ =	swait.ge [sflag:s8], $0x80  }
0xfa: {  	[sflag:s8] =	ssyncset.done $0x0  }
0xfb: {  	[sflag:s8] =	ssyncadd.s32 $0xFFFFFF80  }
0xfc: {  	_ =	swait.ge [sflag:s8], $0x80  }
0xfd: {  	[sflag:s8] =	ssyncset.done $0x0  }
0xfe: {  	[sflag:s8] =	ssyncadd.s32 $0xFFFFFF80  }
0xff: {  	_ =	swait.ge [sflag:s8], $0x80  }
0x100: {  	[sflag:s8] =	ssyncset.done $0x0  }
0x101: {  	[sflag:s8] =	ssyncadd.s32 $0xFFFFFF80  }
0x102: {  	_ =	swait.ge [sflag:s8], $0x80  }
0x103: {  	s0 =	sld [smem:$0x7F1]  }
0x104: {  	s29 =	sld [smem:$0x7F2]  }
0x105: {  	[sflag:s8] =	ssyncset.done $0x0;
	s30 =	sld [smem:$0x7F3]  }
0x106: {  	s31 =	sld [smem:$0x7F4];
	[sflag:s8] =	ssyncadd.s32 $0xFFFFFF80  }
0x107: {  	[spmem:s1] =	stream.indirect.scatter.add.f32 [tilespmem:s29], [sflag:$0x1], $0x1, s0, s7, $0xb8;
	[tilespmem:$0x2D00] =	vst v63  }
0x108: {  	s0 =	sld [smem:$0x7F5]  }
0x109: {  	s29 =	sld [smem:$0x7F6]  }
0x10a: {  	[spmem:s1] =	stream.indirect.scatter.add.f32 [tilespmem:s31], [sflag:$0x1], $0x1, s30, s7, $0xb8;
	[tilespmem:$0x2D00] =	vst v63  }
0x10b: {  	s30 =	sld [smem:$0x7F7]  }
0x10c: {  	s31 =	sld [smem:$0x7F8]  }
0x10d: {  	[spmem:s1] =	stream.indirect.scatter.add.f32 [tilespmem:s29], [sflag:$0x1], $0x1, s0, s7, $0xb8;
	[tilespmem:$0x2D00] =	vst v63  }
0x10e: {  	s0 =	sld [smem:$0x7F9]  }
0x10f: {  	s29 =	sld [smem:$0x7FA]  }
0x110: {  	[spmem:s1] =	stream.indirect.scatter.add.f32 [tilespmem:s31], [sflag:$0x1], $0x1, s30, s7, $0xb8;
	[tilespmem:$0x2D00] =	vst v63  }
0x111: {  	s30 =	sld [smem:$0x7FB]  }
0x112: {  	s31 =	sld [smem:$0x7FC]  }
0x113: {  	[spmem:s1] =	stream.indirect.scatter.add.f32 [tilespmem:s29], [sflag:$0x1], $0x1, s0, s7, $0xb8;
	[tilespmem:$0x2D00] =	vst v63  }
0x114: {  	s29 =	sld [smem:$0x7FD]  }
0x115: {  	[spmem:s1] =	stream.indirect.scatter.add.f32 [tilespmem:s31], [sflag:$0x1], $0x1, s30, s7, $0xb8;
	[tilespmem:$0x2D00] =	vst v63  }
0x116: {  	_ = 	snop  }
0x117: {  	[spmem:s1] =	stream.indirect.scatter.add.f32 [tilespmem:s9], [sflag:$0x1], $0x1, s29, s7, $0xb8;
	[tilespmem:$0x2D00] =	vst v63  }
0x118: {  	_ = 	snop  }
0x119: {  	[spmem:s1] =	stream.indirect.scatter.add.f32 [tilespmem:s11], [sflag:$0x1], $0x1, s10, s7, $0xb8;
	[tilespmem:$0x2D00] =	vst v63  }
0x11a: {  	_ =	swait.ge [sflag:s8], $0x80  }
0x11b: {  	[sflag:s8] =	ssyncset.done $0x0  }
0x11c: {  	[sflag:s8] =	ssyncadd.s32 $0xFFFFFF80  }
0x11d: {  	_ =	swait.ge [sflag:s8], $0x80  }
0x11e: {  	[sflag:s8] =	ssyncset.done $0x0  }
0x11f: {  	[sflag:s8] =	ssyncadd.s32 $0xFFFFFF80  }
0x120: {  	_ =	swait.ge [sflag:s8], $0x80  }
0x121: {  	[sflag:s8] =	ssyncset.done $0x0  }
0x122: {  	[sflag:s8] =	ssyncadd.s32 $0xFFFFFF80  }
0x123: {  	_ =	swait.ge [sflag:s8], $0x80  }
0x124: {  	[sflag:s8] =	ssyncset.done $0x0  }
0x125: {  	[sflag:s8] =	ssyncadd.s32 $0xFFFFFF80  }
0x126: {  	_ =	swait.ge [sflag:s8], $0x80  }
0x127: {  	[sflag:s8] =	ssyncset.done $0x0  }
0x128: {  	[sflag:s8] =	ssyncadd.s32 $0xFFFFFF80  }
0x129: {  	_ =	swait.ge [sflag:s8], $0x80  }
0x12a: {  	[sflag:s8] =	ssyncset.done $0x0  }
0x12b: {  	[sflag:s8] =	ssyncadd.s32 $0xFFFFFF80  }
0x12c: {  	_ =	swait.ge [sflag:s8], $0x80  }
0x12d: {  	[sflag:s8] =	ssyncset.done $0x0  }
0x12e: {  	[sflag:s8] =	ssyncadd.s32 $0xFFFFFF80  }
0x12f: {  	_ =	swait.ge [sflag:s8], $0x80  }
0x130: {  	[sflag:s8] =	ssyncset.done $0x0  }
0x131: {  	[sflag:s8] =	ssyncadd.s32 $0xFFFFFF80  }
0x132: {  	[spmem:s1] =	stream.indirect.scatter.add.f32 [tilespmem:s13], [sflag:$0x1], $0x1, s12, s7, $0xb8;
	[tilespmem:$0x2D00] =	vst v63  }
0x133: {  	_ = 	snop  }
0x134: {  	[spmem:s1] =	stream.indirect.scatter.add.f32 [tilespmem:s15], [sflag:$0x1], $0x1, s14, s7, $0xb8;
	[tilespmem:$0x2D00] =	vst v63  }
0x135: {  	_ = 	snop  }
0x136: {  	[spmem:s1] =	stream.indirect.scatter.add.f32 [tilespmem:s17], [sflag:$0x1], $0x1, s16, s7, $0xb8;
	[tilespmem:$0x2D00] =	vst v63  }
0x137: {  	_ = 	snop  }
0x138: {  	[spmem:s1] =	stream.indirect.scatter.add.f32 [tilespmem:s19], [sflag:$0x1], $0x1, s18, s7, $0xb8;
	[tilespmem:$0x2D00] =	vst v63  }
0x139: {  	_ = 	snop  }
0x13a: {  	[spmem:s1] =	stream.indirect.scatter.add.f32 [tilespmem:s21], [sflag:$0x1], $0x1, s20, s7, $0xb8;
	[tilespmem:$0x2D00] =	vst v63  }
0x13b: {  	_ = 	snop  }
0x13c: {  	[spmem:s1] =	stream.indirect.scatter.add.f32 [tilespmem:s23], [sflag:$0x1], $0x1, s22, s7, $0xb8;
	[tilespmem:$0x2D00] =	vst v63  }
0x13d: {  	_ = 	snop  }
0x13e: {  	[spmem:s1] =	stream.indirect.scatter.add.f32 [tilespmem:s25], [sflag:$0x1], $0x1, s24, s7, $0xb8;
	[tilespmem:$0x2D00] =	vst v63  }
0x13f: {  	_ = 	snop  }
0x140: {  	[spmem:s1] =	stream.indirect.scatter.add.f32 [tilespmem:s28], [sflag:$0x1], $0x1, s26, s7, $0xb8;
	[tilespmem:$0x2D00] =	vst v63  }
0x141: {  	_ =	swait.ge [sflag:s8], $0x80  }
0x142: {  	[sflag:s8] =	ssyncset.done $0x0  }
0x143: {  	[sflag:s8] =	ssyncadd.s32 $0xFFFFFF80  }
0x144: {  	_ =	swait.ge [sflag:s8], $0x80  }
0x145: {  	[sflag:s8] =	ssyncset.done $0x0  }
0x146: {  	[sflag:s8] =	ssyncadd.s32 $0xFFFFFF80  }
0x147: {  	_ =	swait.ge [sflag:s8], $0x80  }
0x148: {  	[sflag:s8] =	ssyncset.done $0x0  }
0x149: {  	[sflag:s8] =	ssyncadd.s32 $0xFFFFFF80  }
0x14a: {  	_ =	swait.ge [sflag:s8], $0x80  }
0x14b: {  	[sflag:s8] =	ssyncset.done $0x0  }
0x14c: {  	[sflag:s8] =	ssyncadd.s32 $0xFFFFFF80  }
0x14d: {  	_ =	swait.ge [sflag:s8], $0x80  }
0x14e: {  	[sflag:s8] =	ssyncset.done $0x0  }
0x14f: {  	[sflag:s8] =	ssyncadd.s32 $0xFFFFFF80  }
0x150: {  	_ =	swait.ge [sflag:s8], $0x80  }
0x151: {  	[sflag:s8] =	ssyncset.done $0x0  }
0x152: {  	[sflag:s8] =	ssyncadd.s32 $0xFFFFFF80  }
0x153: {  	_ =	swait.ge [sflag:s8], $0x80  }
0x154: {  	[sflag:s8] =	ssyncset.done $0x0  }
0x155: {  	[sflag:s8] =	ssyncadd.s32 $0xFFFFFF80  }
0x156: {  	_ =	swait.ge [sflag:s8], $0x80  }
0x157: {  	[sflag:s8] =	ssyncset.done $0x0  }
0x158: {  	s3 =	sadd.s32 $0xFFFFFFFF, s3;
	[sflag:s8] =	ssyncadd.s32 $0xFFFFFF80  }
0x159: {  	p1 =	sne.s32 s3, $0x0;
	[bflag:$0x0] =	sbarrier.arrive $0xFFFF  }
0x15a: {  	s30 =	simm.s32 @!p0 $0x1C03;
	s29 =	sshrl.u32 @!p0 s1, $0x3;
	s0 =	rddreg [dreg:$0x6]  }
0x15b: {  	[hbm:s0], [sflag:s30] =	dma.local @!p0 [spmem:s29], $0x500  }
.Ltmp0:
0x15c: {  	_ = 	snop;
	(pc) =	sbr.rel @p1 .LBB2_1-.Ltmp0, $4  }
0x15d: {  	s0 =	simm.s32 @!p0 $0x3  }
0x15e: {  	_ =	swait.ge @!p0 [sflag:s0], $0x500  }
0x15f: {  	[sflag:s0] =	ssyncset.done @!p0 $0x0  }
0x160: {  	[sflag:s0] =	ssyncadd.s32 @!p0 $0xFFFFFB00  }
0x161: {  	_ =	sfence.sel $0x180000  }
0x162: {  	[bflag:$0x0] =	sbarrier.arrive $0xFFFF  }
0x163: {  	_ =	strace $0x9000004A  }
0x164: {  	[bflag:$0x2] =	sbarrier.arrive $0xFFFF  }
0x165: {  	s0 =	rddreg [dreg:$0x2]  }
0x166: {  	s0 =	sadd.s32 @!p0 $0x100000, s0  }
0x167: {  	[sflag:s0] =	ssyncadd.tile.s32 @!p0 $0x1;
	_ =	shalt  }
.Lfunc_end2:
_tile_overlayer_lowered:
.L_overlay_start_2:
0x168: {  	(tag) =	ssettag $0x2  }
0x169: {  	s0 =	rddreg [dreg:$0x0];
	s2 =	stileid.u32  }
0x16a: {  	s1 =	rddreg [dreg:$0x1];
	p0 =	sne.s32 s2, $0x0  }
0x16b: {  	s3 =	rddreg [dreg:$0x2];
	[bflag:$0x3] =	sbarrier.arrive $0xFFFF;
	s2 =	simm.s32 @!p0 $0x1C03  }
0x16c: {  	[timem:s3], [sflag:s2] =	dma.local @!p0 [hbm:s0], s1  }
0x16d: {  	s0 =	simm.s32 @!p0 $0x3  }
0x16e: {  	_ =	swait.ge @!p0 [sflag:s0], s1  }
0x16f: {  	s1 =	ssub.s32 @!p0 $0x0, s1;
	[sflag:s0] =	ssyncset.done @!p0 $0x0  }
0x170: {  	[sflag:s0] =	ssyncadd.s32 @!p0 s1  }
0x171: {  	[bflag:$0x3] =	sbarrier.arrive $0xFFFF  }
0x172: {  	_ =	shalt  }

</sc_bundles>
